<compile_context>
chip_gen: v7x
topology: tpu7x:2x2x1
jax: 0.10.2.dev20260603
libtpu: 0.0.44.dev20260713+nightly
codegen_flags: <defaults>
</compile_context>

<pallas_src>
import jax
import jax.numpy as jnp
from jax import lax
from jax.experimental import pallas as pl
from jax.experimental.pallas import tpu as pltpu
from jax.experimental.pallas import tpu_sc as plsc

B = 16384
D = 32

_info = plsc.get_sparse_core_info()
NC, NS, L = _info.num_cores, _info.num_subcores, _info.num_lanes
NW = NC * NS
BPW = B // NW
G = BPW // L


def _tmfp_body(user_hbm, tag_hbm, urows_t_hbm, trows_t_hbm, user_b_hbm,
               tag_b_hbm, out_hbm, uidx, tidx, uvals, tvals, ub, tb, outv,
               sem0, sem1, sem2, sem3):
    wid = lax.axis_index("s") * NC + lax.axis_index("c")
    base = wid * BPW

    pltpu.sync_copy(user_hbm.at[pl.ds(base, BPW)], uidx)
    pltpu.sync_copy(tag_hbm.at[pl.ds(base, BPW)], tidx)

    jb = wid * (BPW // 128)
    c0 = pltpu.async_copy(urows_t_hbm.at[:, pl.ds(jb, BPW // 128)], uvals,
                          sem0)
    c1 = pltpu.async_copy(trows_t_hbm.at[:, pl.ds(jb, BPW // 128)], tvals,
                          sem1)
    c2 = pltpu.async_copy(user_b_hbm.at[0].at[uidx], ub, sem2)
    c3 = pltpu.async_copy(tag_b_hbm.at[0].at[tidx], tb, sem3)
    c0.wait()
    c1.wait()
    c2.wait()
    c3.wait()

    def body(g, carry):
        s = g * L
        jj = g // 8
        l0 = (g % 8) * L
        acc = ub[pl.ds(s, L)] + tb[pl.ds(s, L)]
        for i in range(D // 8):
            for sub in range(8):
                acc = acc + (uvals[i, jj, sub, pl.ds(l0, L)] *
                             tvals[i, jj, sub, pl.ds(l0, L)])
        outv[pl.ds(s, L)] = acc
        return carry

    lax.fori_loop(0, G, body, 0)
    pltpu.sync_copy(outv, out_hbm.at[pl.ds(base, BPW)])


@jax.jit
def kernel(user, tag, user_e, tag_e, user_b, tag_b):
    u_rows = user_e.at[user].get(mode="promise_in_bounds")
    t_rows = tag_e.at[tag].get(mode="promise_in_bounds")
    u_tiles = u_rows.T.reshape(D // 8, 8, B // 128, 128).transpose(0, 2, 1, 3)
    t_tiles = t_rows.T.reshape(D // 8, 8, B // 128, 128).transpose(0, 2, 1, 3)
    mesh = plsc.VectorSubcoreMesh(core_axis_name="c", subcore_axis_name="s")
    f = pl.kernel(
        _tmfp_body,
        mesh=mesh,
        compiler_params=pltpu.CompilerParams(
            needs_layout_passes=False, use_tc_tiling_on_sc=False),
        out_type=jax.ShapeDtypeStruct((B,), jnp.float32),
        scratch_types=[
            pltpu.VMEM((BPW,), jnp.int32),
            pltpu.VMEM((BPW,), jnp.int32),
            pltpu.VMEM((D // 8, BPW // 128, 8, 128), jnp.float32),
            pltpu.VMEM((D // 8, BPW // 128, 8, 128), jnp.float32),
            pltpu.VMEM((BPW,), jnp.float32),
            pltpu.VMEM((BPW,), jnp.float32),
            pltpu.VMEM((BPW,), jnp.float32),
            pltpu.SemaphoreType.DMA,
            pltpu.SemaphoreType.DMA,
            pltpu.SemaphoreType.DMA,
            pltpu.SemaphoreType.DMA,
        ],
    )
    return f(user, tag, u_tiles, t_tiles, user_b.reshape(1, -1),
             tag_b.reshape(1, -1))

# --- scband reference (transcript-rebuilt; emitter-appended) ---
"""Pipeline reference for scband-tmfp-56057913147790 (READ-ONLY COPY).

The authoritative reference and input builder live on the scoring server;
editing this copy changes nothing except your own understanding.
"""

import jax, jax.numpy as jnp
import numpy as np

NUM_USERS = 1000000
NUM_TAGS = 100000
EMBED_DIM = 32
BATCH = 16384

def setup_inputs(seed: int = 0) -> dict:
    key = jax.random.key(seed)
    k1, k2, k3, k4, k5, k6 = jax.random.split(key, 6)
    user = jax.random.randint(k1, (BATCH,), 0, NUM_USERS, dtype=jnp.int64 if jax.config.jax_enable_x64 else jnp.int32)
    tag = jax.random.randint(k2, (BATCH,), 0, NUM_TAGS, dtype=jnp.int64 if jax.config.jax_enable_x64 else jnp.int32)
    user_e = jax.random.normal(k3, (NUM_USERS, EMBED_DIM), dtype=jnp.float32) * 0.1
    tag_e = jax.random.normal(k4, (NUM_TAGS, EMBED_DIM), dtype=jnp.float32) * 0.1
    user_b = jax.random.normal(k5, (NUM_USERS, 1), dtype=jnp.float32) * 0.1
    tag_b = jax.random.normal(k6, (NUM_TAGS, 1), dtype=jnp.float32) * 0.1
    return {"user": user, "tag": tag, "user_e": user_e, "tag_e": tag_e, "user_b": user_b, "tag_b": tag_b}

def reference(user, tag, user_e, tag_e, user_b, tag_b):
    # TMFP.forward: biased dot-product factorization
    user_embedding = jnp.take(user_e, user, axis=0)       # [B, D]
    tag_embedding = jnp.take(tag_e, tag, axis=0)          # [B, D]
    preds = jnp.take(user_b, user, axis=0)                # [B, 1]
    preds = preds + jnp.take(tag_b, tag, axis=0)          # [B, 1]
    preds = preds + (user_embedding * tag_embedding).sum(axis=1, keepdims=True)
    return preds.squeeze()

if __name__ == "__main__":
    import jax
    _d = setup_inputs()
    print(jax.jit(kernel)(*tuple(_d.values())))

</pallas_src>

<mosaic_0001>
#map = affine_map<(d0, d1) -> (0)>
#map1 = affine_map<(d0, d1) -> (0, 0, 0, 0)>
#map2 = affine_map<(d0, d1) -> (0, 0)>
module attributes {stable_mosaic.version = 14 : i64} {
  func.func @_tmfp_body(%arg0: i32, %arg1: i32, %arg2: memref<16384xi32, #tpu.memory_space<hbm>>, %arg3: memref<16384xi32, #tpu.memory_space<hbm>>, %arg4: memref<4x128x8x128xf32, #tpu.memory_space<hbm>>, %arg5: memref<4x128x8x128xf32, #tpu.memory_space<hbm>>, %arg6: memref<1x1000000xf32, #tpu.memory_space<hbm>>, %arg7: memref<1x100000xf32, #tpu.memory_space<hbm>>, %arg8: memref<16384xf32, #tpu.memory_space<hbm>>, %arg9: memref<512xi32, #tpu.memory_space<vmem>>, %arg10: memref<512xi32, #tpu.memory_space<vmem>>, %arg11: memref<4x4x8x128xf32, #tpu.memory_space<vmem>>, %arg12: memref<4x4x8x128xf32, #tpu.memory_space<vmem>>, %arg13: memref<512xf32, #tpu.memory_space<vmem>>, %arg14: memref<512xf32, #tpu.memory_space<vmem>>, %arg15: memref<512xf32, #tpu.memory_space<vmem>>, %arg16: memref<!tpu.dma_semaphore, #tpu.memory_space<semaphore_mem>>, %arg17: memref<!tpu.dma_semaphore, #tpu.memory_space<semaphore_mem>>, %arg18: memref<!tpu.dma_semaphore, #tpu.memory_space<semaphore_mem>>, %arg19: memref<!tpu.dma_semaphore, #tpu.memory_space<semaphore_mem>>) attributes {dimension_semantics = [#tpu.dimension_semantics<core_parallel>, #tpu.dimension_semantics<subcore_parallel>], iteration_bounds = array<i64: 2, 16>, scalar_prefetch = 0 : i64, scratch_operands = 11 : i64, tpu.core_type = #tpu.core_type<sc_vector_subcore>, window_params = [{transform_indices = #map}, {transform_indices = #map}, {transform_indices = #map1}, {transform_indices = #map1}, {transform_indices = #map2}, {transform_indices = #map2}, {transform_indices = #map}]} {
    %mul3A = arith.constant 2 : i32
    %mul3A_0 = arith.muli %arg1, %mul3A : i32
    %add3A = arith.addi %mul3A_0, %arg0 : i32
    %mul3A_1 = arith.constant 512 : i32
    %mul3A_2 = arith.muli %add3A, %mul3A_1 : i32
    "tpu.region"() ({
      %run_scoped3A = tpu.sem_alloc : memref<!tpu.dma_semaphore, #tpu.memory_space<semaphore_mem>>
      %dma_start3A_64 = tpu.memref_slice %arg2[%mul3A_2] : memref<16384xi32, #tpu.memory_space<hbm>> -> memref<512xi32, #tpu.memory_space<hbm>>
      %dma_start3A_65 = tpu.memref_slice %arg2[%mul3A_2] : memref<16384xi32, #tpu.memory_space<hbm>> -> memref<512xi32, #tpu.memory_space<hbm>>
      tpu.enqueue_dma source(%dma_start3A_65 : memref<512xi32, #tpu.memory_space<hbm>>) target(%arg9 : memref<512xi32, #tpu.memory_space<vmem>>) target_semaphore(%run_scoped3A : memref<!tpu.dma_semaphore, #tpu.memory_space<semaphore_mem>>)
      %dma_wait3A_66 = tpu.memref_slice %arg2[%mul3A_2] : memref<16384xi32, #tpu.memory_space<hbm>> -> memref<512xi32, #tpu.memory_space<hbm>>
      %dma_wait3A_67 = tpu.memref_slice %arg2[%mul3A_2] : memref<16384xi32, #tpu.memory_space<hbm>> -> memref<512xi32, #tpu.memory_space<hbm>>
      tpu.wait_dma2 semaphore(%run_scoped3A : memref<!tpu.dma_semaphore, #tpu.memory_space<semaphore_mem>>) src(%dma_wait3A_67 : memref<512xi32, #tpu.memory_space<hbm>>) dst(%arg9 : memref<512xi32, #tpu.memory_space<vmem>>)
      tpu.yield
    }) : () -> ()
    "tpu.region"() ({
      %run_scoped3A = tpu.sem_alloc : memref<!tpu.dma_semaphore, #tpu.memory_space<semaphore_mem>>
      %dma_start3A_64 = tpu.memref_slice %arg3[%mul3A_2] : memref<16384xi32, #tpu.memory_space<hbm>> -> memref<512xi32, #tpu.memory_space<hbm>>
      %dma_start3A_65 = tpu.memref_slice %arg3[%mul3A_2] : memref<16384xi32, #tpu.memory_space<hbm>> -> memref<512xi32, #tpu.memory_space<hbm>>
      tpu.enqueue_dma source(%dma_start3A_65 : memref<512xi32, #tpu.memory_space<hbm>>) target(%arg10 : memref<512xi32, #tpu.memory_space<vmem>>) target_semaphore(%run_scoped3A : memref<!tpu.dma_semaphore, #tpu.memory_space<semaphore_mem>>)
      %dma_wait3A_66 = tpu.memref_slice %arg3[%mul3A_2] : memref<16384xi32, #tpu.memory_space<hbm>> -> memref<512xi32, #tpu.memory_space<hbm>>
      %dma_wait3A_67 = tpu.memref_slice %arg3[%mul3A_2] : memref<16384xi32, #tpu.memory_space<hbm>> -> memref<512xi32, #tpu.memory_space<hbm>>
      tpu.wait_dma2 semaphore(%run_scoped3A : memref<!tpu.dma_semaphore, #tpu.memory_space<semaphore_mem>>) src(%dma_wait3A_67 : memref<512xi32, #tpu.memory_space<hbm>>) dst(%arg10 : memref<512xi32, #tpu.memory_space<vmem>>)
      tpu.yield
    }) : () -> ()
    %mul3A_3 = arith.constant 4 : i32
    %mul3A_4 = arith.muli %add3A, %mul3A_3 : i32
    %dma_start3A = arith.constant 0 : i32
    %dma_start3A_5 = arith.constant 0 : i32
    %dma_start3A_6 = arith.constant 0 : i32
    %dma_start3A_7 = tpu.memref_slice %arg4[%dma_start3A, %mul3A_4, %dma_start3A_5, %dma_start3A_6] : memref<4x128x8x128xf32, #tpu.memory_space<hbm>> -> memref<4x4x8x128xf32, #tpu.memory_space<hbm>>
    %dma_start3A_8 = arith.constant 0 : i32
    %dma_start3A_9 = arith.constant 0 : i32
    %dma_start3A_10 = arith.constant 0 : i32
    %dma_start3A_11 = tpu.memref_slice %arg4[%dma_start3A_8, %mul3A_4, %dma_start3A_9, %dma_start3A_10] : memref<4x128x8x128xf32, #tpu.memory_space<hbm>> -> memref<4x4x8x128xf32, #tpu.memory_space<hbm>>
    tpu.enqueue_dma source(%dma_start3A_11 : memref<4x4x8x128xf32, #tpu.memory_space<hbm>>) target(%arg11 : memref<4x4x8x128xf32, #tpu.memory_space<vmem>>) target_semaphore(%arg16 : memref<!tpu.dma_semaphore, #tpu.memory_space<semaphore_mem>>)
    %dma_start3A_12 = arith.constant 0 : i32
    %dma_start3A_13 = arith.constant 0 : i32
    %dma_start3A_14 = arith.constant 0 : i32
    %dma_start3A_15 = tpu.memref_slice %arg5[%dma_start3A_12, %mul3A_4, %dma_start3A_13, %dma_start3A_14] : memref<4x128x8x128xf32, #tpu.memory_space<hbm>> -> memref<4x4x8x128xf32, #tpu.memory_space<hbm>>
    %dma_start3A_16 = arith.constant 0 : i32
    %dma_start3A_17 = arith.constant 0 : i32
    %dma_start3A_18 = arith.constant 0 : i32
    %dma_start3A_19 = tpu.memref_slice %arg5[%dma_start3A_16, %mul3A_4, %dma_start3A_17, %dma_start3A_18] : memref<4x128x8x128xf32, #tpu.memory_space<hbm>> -> memref<4x4x8x128xf32, #tpu.memory_space<hbm>>
    tpu.enqueue_dma source(%dma_start3A_19 : memref<4x4x8x128xf32, #tpu.memory_space<hbm>>) target(%arg12 : memref<4x4x8x128xf32, #tpu.memory_space<vmem>>) target_semaphore(%arg17 : memref<!tpu.dma_semaphore, #tpu.memory_space<semaphore_mem>>)
    %dma_start3A_20 = arith.constant 0 : i32
    %dma_start3A_21 = arith.constant 0 : i32
    %dma_start3A_22 = tpu.memref_slice %arg6[%dma_start3A_20, %dma_start3A_21] : memref<1x1000000xf32, #tpu.memory_space<hbm>> -> memref<1x1000000xf32, #tpu.memory_space<hbm>>
    %dma_start3A_23 = tpu.memref_squeeze %dma_start3A_22 : memref<1x1000000xf32, #tpu.memory_space<hbm>> -> memref<1000000xf32, #tpu.memory_space<hbm>>
    %dma_start3A_24 = arith.constant 0 : i32
    %dma_start3A_25 = tpu.memref_slice %dma_start3A_23[%dma_start3A_24] : memref<1000000xf32, #tpu.memory_space<hbm>> -> memref<1000000xf32, #tpu.memory_space<hbm>>
    tpu.enqueue_indirect_dma source(%dma_start3A_25 : memref<1000000xf32, #tpu.memory_space<hbm>>) target(%arg13 : memref<512xf32, #tpu.memory_space<vmem>>) offsets(%arg9 : memref<512xi32, #tpu.memory_space<vmem>>) semaphore(%arg18 : memref<!tpu.dma_semaphore, #tpu.memory_space<semaphore_mem>>)
    %dma_start3A_26 = arith.constant 0 : i32
    %dma_start3A_27 = arith.constant 0 : i32
    %dma_start3A_28 = tpu.memref_slice %arg7[%dma_start3A_26, %dma_start3A_27] : memref<1x100000xf32, #tpu.memory_space<hbm>> -> memref<1x100000xf32, #tpu.memory_space<hbm>>
    %dma_start3A_29 = tpu.memref_squeeze %dma_start3A_28 : memref<1x100000xf32, #tpu.memory_space<hbm>> -> memref<100000xf32, #tpu.memory_space<hbm>>
    %dma_start3A_30 = arith.constant 0 : i32
    %dma_start3A_31 = tpu.memref_slice %dma_start3A_29[%dma_start3A_30] : memref<100000xf32, #tpu.memory_space<hbm>> -> memref<100000xf32, #tpu.memory_space<hbm>>
    tpu.enqueue_indirect_dma source(%dma_start3A_31 : memref<100000xf32, #tpu.memory_space<hbm>>) target(%arg14 : memref<512xf32, #tpu.memory_space<vmem>>) offsets(%arg10 : memref<512xi32, #tpu.memory_space<vmem>>) semaphore(%arg19 : memref<!tpu.dma_semaphore, #tpu.memory_space<semaphore_mem>>)
    %dma_wait3A = arith.constant 0 : i32
    %dma_wait3A_32 = arith.constant 0 : i32
    %dma_wait3A_33 = arith.constant 0 : i32
    %dma_wait3A_34 = tpu.memref_slice %arg4[%dma_wait3A, %mul3A_4, %dma_wait3A_32, %dma_wait3A_33] : memref<4x128x8x128xf32, #tpu.memory_space<hbm>> -> memref<4x4x8x128xf32, #tpu.memory_space<hbm>>
    %dma_wait3A_35 = arith.constant 0 : i32
    %dma_wait3A_36 = arith.constant 0 : i32
    %dma_wait3A_37 = arith.constant 0 : i32
    %dma_wait3A_38 = tpu.memref_slice %arg4[%dma_wait3A_35, %mul3A_4, %dma_wait3A_36, %dma_wait3A_37] : memref<4x128x8x128xf32, #tpu.memory_space<hbm>> -> memref<4x4x8x128xf32, #tpu.memory_space<hbm>>
    tpu.wait_dma2 semaphore(%arg16 : memref<!tpu.dma_semaphore, #tpu.memory_space<semaphore_mem>>) src(%dma_wait3A_38 : memref<4x4x8x128xf32, #tpu.memory_space<hbm>>) dst(%arg11 : memref<4x4x8x128xf32, #tpu.memory_space<vmem>>)
    %dma_wait3A_39 = arith.constant 0 : i32
    %dma_wait3A_40 = arith.constant 0 : i32
    %dma_wait3A_41 = arith.constant 0 : i32
    %dma_wait3A_42 = tpu.memref_slice %arg5[%dma_wait3A_39, %mul3A_4, %dma_wait3A_40, %dma_wait3A_41] : memref<4x128x8x128xf32, #tpu.memory_space<hbm>> -> memref<4x4x8x128xf32, #tpu.memory_space<hbm>>
    %dma_wait3A_43 = arith.constant 0 : i32
    %dma_wait3A_44 = arith.constant 0 : i32
    %dma_wait3A_45 = arith.constant 0 : i32
    %dma_wait3A_46 = tpu.memref_slice %arg5[%dma_wait3A_43, %mul3A_4, %dma_wait3A_44, %dma_wait3A_45] : memref<4x128x8x128xf32, #tpu.memory_space<hbm>> -> memref<4x4x8x128xf32, #tpu.memory_space<hbm>>
    tpu.wait_dma2 semaphore(%arg17 : memref<!tpu.dma_semaphore, #tpu.memory_space<semaphore_mem>>) src(%dma_wait3A_46 : memref<4x4x8x128xf32, #tpu.memory_space<hbm>>) dst(%arg12 : memref<4x4x8x128xf32, #tpu.memory_space<vmem>>)
    %dma_wait3A_47 = arith.constant 0 : i32
    %dma_wait3A_48 = arith.constant 0 : i32
    %dma_wait3A_49 = tpu.memref_slice %arg6[%dma_wait3A_47, %dma_wait3A_48] : memref<1x1000000xf32, #tpu.memory_space<hbm>> -> memref<1x1000000xf32, #tpu.memory_space<hbm>>
    %dma_wait3A_50 = tpu.memref_squeeze %dma_wait3A_49 : memref<1x1000000xf32, #tpu.memory_space<hbm>> -> memref<1000000xf32, #tpu.memory_space<hbm>>
    %dma_wait3A_51 = arith.constant 0 : i32
    %dma_wait3A_52 = tpu.memref_slice %dma_wait3A_50[%dma_wait3A_51] : memref<1000000xf32, #tpu.memory_space<hbm>> -> memref<1000000xf32, #tpu.memory_space<hbm>>
    tpu.wait_indirect_dma semaphore(%arg18 : memref<!tpu.dma_semaphore, #tpu.memory_space<semaphore_mem>>) src(%dma_wait3A_52 : memref<1000000xf32, #tpu.memory_space<hbm>>) dst(%arg13 : memref<512xf32, #tpu.memory_space<vmem>>)
    %dma_wait3A_53 = arith.constant 0 : i32
    %dma_wait3A_54 = arith.constant 0 : i32
    %dma_wait3A_55 = tpu.memref_slice %arg7[%dma_wait3A_53, %dma_wait3A_54] : memref<1x100000xf32, #tpu.memory_space<hbm>> -> memref<1x100000xf32, #tpu.memory_space<hbm>>
    %dma_wait3A_56 = tpu.memref_squeeze %dma_wait3A_55 : memref<1x100000xf32, #tpu.memory_space<hbm>> -> memref<100000xf32, #tpu.memory_space<hbm>>
    %dma_wait3A_57 = arith.constant 0 : i32
    %dma_wait3A_58 = tpu.memref_slice %dma_wait3A_56[%dma_wait3A_57] : memref<100000xf32, #tpu.memory_space<hbm>> -> memref<100000xf32, #tpu.memory_space<hbm>>
    tpu.wait_indirect_dma semaphore(%arg19 : memref<!tpu.dma_semaphore, #tpu.memory_space<semaphore_mem>>) src(%dma_wait3A_58 : memref<100000xf32, #tpu.memory_space<hbm>>) dst(%arg14 : memref<512xf32, #tpu.memory_space<vmem>>)
    %scan3A = arith.constant 0 : i32
    %scan3A_59 = arith.constant 0 : i32
    %scan3A_60 = arith.constant 32 : i32
    %scan3A_61 = arith.addi %scan3A_59, %scan3A_60 : i32
    %scan3A_62 = arith.constant 1 : i32
    scf.for %scan3A_64 = %scan3A_59 to %scan3A_61 step %scan3A_62  : i32 {
      %mul3A_65 = arith.constant 16 : i32
      %mul3A_66 = arith.muli %scan3A_64, %mul3A_65 : i32
      %jit3A = arith.constant 8 : i32
      %div3A = arith.divsi %scan3A_64, %jit3A : i32
      %sign3A = arith.constant 0 : i32
      %sign3A_67 = arith.cmpi sgt, %scan3A_64, %sign3A : i32
      %sign3A_68 = arith.extui %sign3A_67 : i1 to i32
      %sign3A_69 = arith.constant 0 : i32
      %sign3A_70 = arith.cmpi slt, %scan3A_64, %sign3A_69 : i32
      %sign3A_71 = arith.extui %sign3A_70 : i1 to i32
      %sign3A_72 = arith.subi %sign3A_68, %sign3A_71 : i32
      %sign3A_73 = arith.constant 0 : i32
      %sign3A_74 = arith.cmpi sgt, %jit3A, %sign3A_73 : i32
      %sign3A_75 = arith.extui %sign3A_74 : i1 to i32
      %sign3A_76 = arith.constant 0 : i32
      %sign3A_77 = arith.cmpi slt, %jit3A, %sign3A_76 : i32
      %sign3A_78 = arith.extui %sign3A_77 : i1 to i32
      %sign3A_79 = arith.subi %sign3A_75, %sign3A_78 : i32
      %ne3A = arith.cmpi ne, %sign3A_72, %sign3A_79 : i32
      %rem3A = arith.remsi %scan3A_64, %jit3A : i32
      %ne3A_80 = arith.constant 0 : i32
      %ne3A_81 = arith.cmpi ne, %rem3A, %ne3A_80 : i32
      %and3A = arith.andi %ne3A, %ne3A_81 : i1
      %sub3A = arith.constant 1 : i32
      %sub3A_82 = arith.subi %div3A, %sub3A : i32
      %select_n3A = arith.select %and3A, %sub3A_82, %div3A : i32
      %jit3A_83 = arith.constant 8 : i32
      %eq3A = arith.constant 0 : i32
      %eq3A_84 = arith.cmpi eq, %jit3A_83, %eq3A : i32
      %jit3A_85 = arith.constant 1 : i32
      %select_n3A_86 = arith.select %eq3A_84, %jit3A_85, %jit3A_83 : i32
      %rem3A_87 = arith.remsi %scan3A_64, %select_n3A_86 : i32
      %ne3A_88 = arith.constant 0 : i32
      %ne3A_89 = arith.cmpi ne, %rem3A_87, %ne3A_88 : i32
      %lt3A = arith.constant 0 : i32
      %lt3A_90 = arith.cmpi slt, %rem3A_87, %lt3A : i32
      %lt3A_91 = arith.constant 0 : i32
      %lt3A_92 = arith.cmpi slt, %select_n3A_86, %lt3A_91 : i32
      %ne3A_93 = arith.xori %lt3A_90, %lt3A_92 : i1
      %and3A_94 = arith.andi %ne3A_93, %ne3A_89 : i1
      %add3A_95 = arith.addi %rem3A_87, %select_n3A_86 : i32
      %select_n3A_96 = arith.select %and3A_94, %add3A_95, %rem3A_87 : i32
      %mul3A_97 = arith.constant 16 : i32
      %mul3A_98 = arith.muli %select_n3A_96, %mul3A_97 : i32
      %get3A = arith.index_cast %mul3A_66 : i32 to index
      %get3A_99 = tpu.vector_load %arg13[%get3A] {strides = array<i32>} : memref<512xf32, #tpu.memory_space<vmem>>, vector<16xf32>,
      %get3A_100 = arith.index_cast %mul3A_66 : i32 to index
      %get3A_101 = tpu.vector_load %arg14[%get3A_100] {strides = array<i32>} : memref<512xf32, #tpu.memory_space<vmem>>, vector<16xf32>,
      %add3A_102 = arith.addf %get3A_99, %get3A_101 : vector<16xf32>
      %get3A_103 = arith.constant 0 : i32
      %get3A_104 = arith.constant 0 : i32
      %get3A_105 = arith.index_cast %get3A_103 : i32 to index
      %get3A_106 = arith.index_cast %select_n3A : i32 to index
      %get3A_107 = arith.index_cast %get3A_104 : i32 to index
      %get3A_108 = arith.index_cast %mul3A_98 : i32 to index
      %get3A_109 = tpu.vector_load %arg11[%get3A_105, %get3A_106, %get3A_107, %get3A_108] {strides = array<i32>} : memref<4x4x8x128xf32, #tpu.memory_space<vmem>>, vector<16xf32>,
      %get3A_110 = arith.constant 0 : i32
      %get3A_111 = arith.constant 0 : i32
      %get3A_112 = arith.index_cast %get3A_110 : i32 to index
      %get3A_113 = arith.index_cast %select_n3A : i32 to index
      %get3A_114 = arith.index_cast %get3A_111 : i32 to index
      %get3A_115 = arith.index_cast %mul3A_98 : i32 to index
      %get3A_116 = tpu.vector_load %arg12[%get3A_112, %get3A_113, %get3A_114, %get3A_115] {strides = array<i32>} : memref<4x4x8x128xf32, #tpu.memory_space<vmem>>, vector<16xf32>,
      %mul3A_117 = arith.mulf %get3A_109, %get3A_116 : vector<16xf32>
      %add3A_118 = arith.addf %add3A_102, %mul3A_117 : vector<16xf32>
      %get3A_119 = arith.constant 0 : i32
      %get3A_120 = arith.constant 1 : i32
      %get3A_121 = arith.index_cast %get3A_119 : i32 to index
      %get3A_122 = arith.index_cast %select_n3A : i32 to index
      %get3A_123 = arith.index_cast %get3A_120 : i32 to index
      %get3A_124 = arith.index_cast %mul3A_98 : i32 to index
      %get3A_125 = tpu.vector_load %arg11[%get3A_121, %get3A_122, %get3A_123, %get3A_124] {strides = array<i32>} : memref<4x4x8x128xf32, #tpu.memory_space<vmem>>, vector<16xf32>,
      %get3A_126 = arith.constant 0 : i32
      %get3A_127 = arith.constant 1 : i32
      %get3A_128 = arith.index_cast %get3A_126 : i32 to index
      %get3A_129 = arith.index_cast %select_n3A : i32 to index
      %get3A_130 = arith.index_cast %get3A_127 : i32 to index
      %get3A_131 = arith.index_cast %mul3A_98 : i32 to index
      %get3A_132 = tpu.vector_load %arg12[%get3A_128, %get3A_129, %get3A_130, %get3A_131] {strides = array<i32>} : memref<4x4x8x128xf32, #tpu.memory_space<vmem>>, vector<16xf32>,
      %mul3A_133 = arith.mulf %get3A_125, %get3A_132 : vector<16xf32>
      %add3A_134 = arith.addf %add3A_118, %mul3A_133 : vector<16xf32>
      %get3A_135 = arith.constant 0 : i32
      %get3A_136 = arith.constant 2 : i32
      %get3A_137 = arith.index_cast %get3A_135 : i32 to index
      %get3A_138 = arith.index_cast %select_n3A : i32 to index
      %get3A_139 = arith.index_cast %get3A_136 : i32 to index
      %get3A_140 = arith.index_cast %mul3A_98 : i32 to index
      %get3A_141 = tpu.vector_load %arg11[%get3A_137, %get3A_138, %get3A_139, %get3A_140] {strides = array<i32>} : memref<4x4x8x128xf32, #tpu.memory_space<vmem>>, vector<16xf32>,
      %get3A_142 = arith.constant 0 : i32
      %get3A_143 = arith.constant 2 : i32
      %get3A_144 = arith.index_cast %get3A_142 : i32 to index
      %get3A_145 = arith.index_cast %select_n3A : i32 to index
      %get3A_146 = arith.index_cast %get3A_143 : i32 to index
      %get3A_147 = arith.index_cast %mul3A_98 : i32 to index
      %get3A_148 = tpu.vector_load %arg12[%get3A_144, %get3A_145, %get3A_146, %get3A_147] {strides = array<i32>} : memref<4x4x8x128xf32, #tpu.memory_space<vmem>>, vector<16xf32>,
      %mul3A_149 = arith.mulf %get3A_141, %get3A_148 : vector<16xf32>
      %add3A_150 = arith.addf %add3A_134, %mul3A_149 : vector<16xf32>
      %get3A_151 = arith.constant 0 : i32
      %get3A_152 = arith.constant 3 : i32
      %get3A_153 = arith.index_cast %get3A_151 : i32 to index
      %get3A_154 = arith.index_cast %select_n3A : i32 to index
      %get3A_155 = arith.index_cast %get3A_152 : i32 to index
      %get3A_156 = arith.index_cast %mul3A_98 : i32 to index
      %get3A_157 = tpu.vector_load %arg11[%get3A_153, %get3A_154, %get3A_155, %get3A_156] {strides = array<i32>} : memref<4x4x8x128xf32, #tpu.memory_space<vmem>>, vector<16xf32>,
      %get3A_158 = arith.constant 0 : i32
      %get3A_159 = arith.constant 3 : i32
      %get3A_160 = arith.index_cast %get3A_158 : i32 to index
      %get3A_161 = arith.index_cast %select_n3A : i32 to index
      %get3A_162 = arith.index_cast %get3A_159 : i32 to index
      %get3A_163 = arith.index_cast %mul3A_98 : i32 to index
      %get3A_164 = tpu.vector_load %arg12[%get3A_160, %get3A_161, %get3A_162, %get3A_163] {strides = array<i32>} : memref<4x4x8x128xf32, #tpu.memory_space<vmem>>, vector<16xf32>,
      %mul3A_165 = arith.mulf %get3A_157, %get3A_164 : vector<16xf32>
      %add3A_166 = arith.addf %add3A_150, %mul3A_165 : vector<16xf32>
      %get3A_167 = arith.constant 0 : i32
      %get3A_168 = arith.constant 4 : i32
      %get3A_169 = arith.index_cast %get3A_167 : i32 to index
      %get3A_170 = arith.index_cast %select_n3A : i32 to index
      %get3A_171 = arith.index_cast %get3A_168 : i32 to index
      %get3A_172 = arith.index_cast %mul3A_98 : i32 to index
      %get3A_173 = tpu.vector_load %arg11[%get3A_169, %get3A_170, %get3A_171, %get3A_172] {strides = array<i32>} : memref<4x4x8x128xf32, #tpu.memory_space<vmem>>, vector<16xf32>,
      %get3A_174 = arith.constant 0 : i32
      %get3A_175 = arith.constant 4 : i32
      %get3A_176 = arith.index_cast %get3A_174 : i32 to index
      %get3A_177 = arith.index_cast %select_n3A : i32 to index
      %get3A_178 = arith.index_cast %get3A_175 : i32 to index
      %get3A_179 = arith.index_cast %mul3A_98 : i32 to index
      %get3A_180 = tpu.vector_load %arg12[%get3A_176, %get3A_177, %get3A_178, %get3A_179] {strides = array<i32>} : memref<4x4x8x128xf32, #tpu.memory_space<vmem>>, vector<16xf32>,
      %mul3A_181 = arith.mulf %get3A_173, %get3A_180 : vector<16xf32>
      %add3A_182 = arith.addf %add3A_166, %mul3A_181 : vector<16xf32>
      %get3A_183 = arith.constant 0 : i32
      %get3A_184 = arith.constant 5 : i32
      %get3A_185 = arith.index_cast %get3A_183 : i32 to index
      %get3A_186 = arith.index_cast %select_n3A : i32 to index
      %get3A_187 = arith.index_cast %get3A_184 : i32 to index
      %get3A_188 = arith.index_cast %mul3A_98 : i32 to index
      %get3A_189 = tpu.vector_load %arg11[%get3A_185, %get3A_186, %get3A_187, %get3A_188] {strides = array<i32>} : memref<4x4x8x128xf32, #tpu.memory_space<vmem>>, vector<16xf32>,
      %get3A_190 = arith.constant 0 : i32
      %get3A_191 = arith.constant 5 : i32
      %get3A_192 = arith.index_cast %get3A_190 : i32 to index
      %get3A_193 = arith.index_cast %select_n3A : i32 to index
      %get3A_194 = arith.index_cast %get3A_191 : i32 to index
      %get3A_195 = arith.index_cast %mul3A_98 : i32 to index
      %get3A_196 = tpu.vector_load %arg12[%get3A_192, %get3A_193, %get3A_194, %get3A_195] {strides = array<i32>} : memref<4x4x8x128xf32, #tpu.memory_space<vmem>>, vector<16xf32>,
      %mul3A_197 = arith.mulf %get3A_189, %get3A_196 : vector<16xf32>
      %add3A_198 = arith.addf %add3A_182, %mul3A_197 : vector<16xf32>
      %get3A_199 = arith.constant 0 : i32
      %get3A_200 = arith.constant 6 : i32
      %get3A_201 = arith.index_cast %get3A_199 : i32 to index
      %get3A_202 = arith.index_cast %select_n3A : i32 to index
      %get3A_203 = arith.index_cast %get3A_200 : i32 to index
      %get3A_204 = arith.index_cast %mul3A_98 : i32 to index
      %get3A_205 = tpu.vector_load %arg11[%get3A_201, %get3A_202, %get3A_203, %get3A_204] {strides = array<i32>} : memref<4x4x8x128xf32, #tpu.memory_space<vmem>>, vector<16xf32>,
      %get3A_206 = arith.constant 0 : i32
      %get3A_207 = arith.constant 6 : i32
      %get3A_208 = arith.index_cast %get3A_206 : i32 to index
      %get3A_209 = arith.index_cast %select_n3A : i32 to index
      %get3A_210 = arith.index_cast %get3A_207 : i32 to index
      %get3A_211 = arith.index_cast %mul3A_98 : i32 to index
      %get3A_212 = tpu.vector_load %arg12[%get3A_208, %get3A_209, %get3A_210, %get3A_211] {strides = array<i32>} : memref<4x4x8x128xf32, #tpu.memory_space<vmem>>, vector<16xf32>,
      %mul3A_213 = arith.mulf %get3A_205, %get3A_212 : vector<16xf32>
      %add3A_214 = arith.addf %add3A_198, %mul3A_213 : vector<16xf32>
      %get3A_215 = arith.constant 0 : i32
      %get3A_216 = arith.constant 7 : i32
      %get3A_217 = arith.index_cast %get3A_215 : i32 to index
      %get3A_218 = arith.index_cast %select_n3A : i32 to index
      %get3A_219 = arith.index_cast %get3A_216 : i32 to index
      %get3A_220 = arith.index_cast %mul3A_98 : i32 to index
      %get3A_221 = tpu.vector_load %arg11[%get3A_217, %get3A_218, %get3A_219, %get3A_220] {strides = array<i32>} : memref<4x4x8x128xf32, #tpu.memory_space<vmem>>, vector<16xf32>,
      %get3A_222 = arith.constant 0 : i32
      %get3A_223 = arith.constant 7 : i32
      %get3A_224 = arith.index_cast %get3A_222 : i32 to index
      %get3A_225 = arith.index_cast %select_n3A : i32 to index
      %get3A_226 = arith.index_cast %get3A_223 : i32 to index
      %get3A_227 = arith.index_cast %mul3A_98 : i32 to index
      %get3A_228 = tpu.vector_load %arg12[%get3A_224, %get3A_225, %get3A_226, %get3A_227] {strides = array<i32>} : memref<4x4x8x128xf32, #tpu.memory_space<vmem>>, vector<16xf32>,
      %mul3A_229 = arith.mulf %get3A_221, %get3A_228 : vector<16xf32>
      %add3A_230 = arith.addf %add3A_214, %mul3A_229 : vector<16xf32>
      %get3A_231 = arith.constant 1 : i32
      %get3A_232 = arith.constant 0 : i32
      %get3A_233 = arith.index_cast %get3A_231 : i32 to index
      %get3A_234 = arith.index_cast %select_n3A : i32 to index
      %get3A_235 = arith.index_cast %get3A_232 : i32 to index
      %get3A_236 = arith.index_cast %mul3A_98 : i32 to index
      %get3A_237 = tpu.vector_load %arg11[%get3A_233, %get3A_234, %get3A_235, %get3A_236] {strides = array<i32>} : memref<4x4x8x128xf32, #tpu.memory_space<vmem>>, vector<16xf32>,
      %get3A_238 = arith.constant 1 : i32
      %get3A_239 = arith.constant 0 : i32
      %get3A_240 = arith.index_cast %get3A_238 : i32 to index
      %get3A_241 = arith.index_cast %select_n3A : i32 to index
      %get3A_242 = arith.index_cast %get3A_239 : i32 to index
      %get3A_243 = arith.index_cast %mul3A_98 : i32 to index
      %get3A_244 = tpu.vector_load %arg12[%get3A_240, %get3A_241, %get3A_242, %get3A_243] {strides = array<i32>} : memref<4x4x8x128xf32, #tpu.memory_space<vmem>>, vector<16xf32>,
      %mul3A_245 = arith.mulf %get3A_237, %get3A_244 : vector<16xf32>
      %add3A_246 = arith.addf %add3A_230, %mul3A_245 : vector<16xf32>
      %get3A_247 = arith.constant 1 : i32
      %get3A_248 = arith.constant 1 : i32
      %get3A_249 = arith.index_cast %get3A_247 : i32 to index
      %get3A_250 = arith.index_cast %select_n3A : i32 to index
      %get3A_251 = arith.index_cast %get3A_248 : i32 to index
      %get3A_252 = arith.index_cast %mul3A_98 : i32 to index
      %get3A_253 = tpu.vector_load %arg11[%get3A_249, %get3A_250, %get3A_251, %get3A_252] {strides = array<i32>} : memref<4x4x8x128xf32, #tpu.memory_space<vmem>>, vector<16xf32>,
      %get3A_254 = arith.constant 1 : i32
      %get3A_255 = arith.constant 1 : i32
      %get3A_256 = arith.index_cast %get3A_254 : i32 to index
      %get3A_257 = arith.index_cast %select_n3A : i32 to index
      %get3A_258 = arith.index_cast %get3A_255 : i32 to index
      %get3A_259 = arith.index_cast %mul3A_98 : i32 to index
      %get3A_260 = tpu.vector_load %arg12[%get3A_256, %get3A_257, %get3A_258, %get3A_259] {strides = array<i32>} : memref<4x4x8x128xf32, #tpu.memory_space<vmem>>, vector<16xf32>,
      %mul3A_261 = arith.mulf %get3A_253, %get3A_260 : vector<16xf32>
      %add3A_262 = arith.addf %add3A_246, %mul3A_261 : vector<16xf32>
      %get3A_263 = arith.constant 1 : i32
      %get3A_264 = arith.constant 2 : i32
      %get3A_265 = arith.index_cast %get3A_263 : i32 to index
      %get3A_266 = arith.index_cast %select_n3A : i32 to index
      %get3A_267 = arith.index_cast %get3A_264 : i32 to index
      %get3A_268 = arith.index_cast %mul3A_98 : i32 to index
      %get3A_269 = tpu.vector_load %arg11[%get3A_265, %get3A_266, %get3A_267, %get3A_268] {strides = array<i32>} : memref<4x4x8x128xf32, #tpu.memory_space<vmem>>, vector<16xf32>,
      %get3A_270 = arith.constant 1 : i32
      %get3A_271 = arith.constant 2 : i32
      %get3A_272 = arith.index_cast %get3A_270 : i32 to index
      %get3A_273 = arith.index_cast %select_n3A : i32 to index
      %get3A_274 = arith.index_cast %get3A_271 : i32 to index
      %get3A_275 = arith.index_cast %mul3A_98 : i32 to index
      %get3A_276 = tpu.vector_load %arg12[%get3A_272, %get3A_273, %get3A_274, %get3A_275] {strides = array<i32>} : memref<4x4x8x128xf32, #tpu.memory_space<vmem>>, vector<16xf32>,
      %mul3A_277 = arith.mulf %get3A_269, %get3A_276 : vector<16xf32>
      %add3A_278 = arith.addf %add3A_262, %mul3A_277 : vector<16xf32>
      %get3A_279 = arith.constant 1 : i32
      %get3A_280 = arith.constant 3 : i32
      %get3A_281 = arith.index_cast %get3A_279 : i32 to index
      %get3A_282 = arith.index_cast %select_n3A : i32 to index
      %get3A_283 = arith.index_cast %get3A_280 : i32 to index
      %get3A_284 = arith.index_cast %mul3A_98 : i32 to index
      %get3A_285 = tpu.vector_load %arg11[%get3A_281, %get3A_282, %get3A_283, %get3A_284] {strides = array<i32>} : memref<4x4x8x128xf32, #tpu.memory_space<vmem>>, vector<16xf32>,
      %get3A_286 = arith.constant 1 : i32
      %get3A_287 = arith.constant 3 : i32
      %get3A_288 = arith.index_cast %get3A_286 : i32 to index
      %get3A_289 = arith.index_cast %select_n3A : i32 to index
      %get3A_290 = arith.index_cast %get3A_287 : i32 to index
      %get3A_291 = arith.index_cast %mul3A_98 : i32 to index
      %get3A_292 = tpu.vector_load %arg12[%get3A_288, %get3A_289, %get3A_290, %get3A_291] {strides = array<i32>} : memref<4x4x8x128xf32, #tpu.memory_space<vmem>>, vector<16xf32>,
      %mul3A_293 = arith.mulf %get3A_285, %get3A_292 : vector<16xf32>
      %add3A_294 = arith.addf %add3A_278, %mul3A_293 : vector<16xf32>
      %get3A_295 = arith.constant 1 : i32
      %get3A_296 = arith.constant 4 : i32
      %get3A_297 = arith.index_cast %get3A_295 : i32 to index
      %get3A_298 = arith.index_cast %select_n3A : i32 to index
      %get3A_299 = arith.index_cast %get3A_296 : i32 to index
      %get3A_300 = arith.index_cast %mul3A_98 : i32 to index
      %get3A_301 = tpu.vector_load %arg11[%get3A_297, %get3A_298, %get3A_299, %get3A_300] {strides = array<i32>} : memref<4x4x8x128xf32, #tpu.memory_space<vmem>>, vector<16xf32>,
      %get3A_302 = arith.constant 1 : i32
      %get3A_303 = arith.constant 4 : i32
      %get3A_304 = arith.index_cast %get3A_302 : i32 to index
      %get3A_305 = arith.index_cast %select_n3A : i32 to index
      %get3A_306 = arith.index_cast %get3A_303 : i32 to index
      %get3A_307 = arith.index_cast %mul3A_98 : i32 to index
      %get3A_308 = tpu.vector_load %arg12[%get3A_304, %get3A_305, %get3A_306, %get3A_307] {strides = array<i32>} : memref<4x4x8x128xf32, #tpu.memory_space<vmem>>, vector<16xf32>,
      %mul3A_309 = arith.mulf %get3A_301, %get3A_308 : vector<16xf32>
      %add3A_310 = arith.addf %add3A_294, %mul3A_309 : vector<16xf32>
      %get3A_311 = arith.constant 1 : i32
      %get3A_312 = arith.constant 5 : i32
      %get3A_313 = arith.index_cast %get3A_311 : i32 to index
      %get3A_314 = arith.index_cast %select_n3A : i32 to index
      %get3A_315 = arith.index_cast %get3A_312 : i32 to index
      %get3A_316 = arith.index_cast %mul3A_98 : i32 to index
      %get3A_317 = tpu.vector_load %arg11[%get3A_313, %get3A_314, %get3A_315, %get3A_316] {strides = array<i32>} : memref<4x4x8x128xf32, #tpu.memory_space<vmem>>, vector<16xf32>,
      %get3A_318 = arith.constant 1 : i32
      %get3A_319 = arith.constant 5 : i32
      %get3A_320 = arith.index_cast %get3A_318 : i32 to index
      %get3A_321 = arith.index_cast %select_n3A : i32 to index
      %get3A_322 = arith.index_cast %get3A_319 : i32 to index
      %get3A_323 = arith.index_cast %mul3A_98 : i32 to index
      %get3A_324 = tpu.vector_load %arg12[%get3A_320, %get3A_321, %get3A_322, %get3A_323] {strides = array<i32>} : memref<4x4x8x128xf32, #tpu.memory_space<vmem>>, vector<16xf32>,
      %mul3A_325 = arith.mulf %get3A_317, %get3A_324 : vector<16xf32>
      %add3A_326 = arith.addf %add3A_310, %mul3A_325 : vector<16xf32>
      %get3A_327 = arith.constant 1 : i32
      %get3A_328 = arith.constant 6 : i32
      %get3A_329 = arith.index_cast %get3A_327 : i32 to index
      %get3A_330 = arith.index_cast %select_n3A : i32 to index
      %get3A_331 = arith.index_cast %get3A_328 : i32 to index
      %get3A_332 = arith.index_cast %mul3A_98 : i32 to index
      %get3A_333 = tpu.vector_load %arg11[%get3A_329, %get3A_330, %get3A_331, %get3A_332] {strides = array<i32>} : memref<4x4x8x128xf32, #tpu.memory_space<vmem>>, vector<16xf32>,
      %get3A_334 = arith.constant 1 : i32
      %get3A_335 = arith.constant 6 : i32
      %get3A_336 = arith.index_cast %get3A_334 : i32 to index
      %get3A_337 = arith.index_cast %select_n3A : i32 to index
      %get3A_338 = arith.index_cast %get3A_335 : i32 to index
      %get3A_339 = arith.index_cast %mul3A_98 : i32 to index
      %get3A_340 = tpu.vector_load %arg12[%get3A_336, %get3A_337, %get3A_338, %get3A_339] {strides = array<i32>} : memref<4x4x8x128xf32, #tpu.memory_space<vmem>>, vector<16xf32>,
      %mul3A_341 = arith.mulf %get3A_333, %get3A_340 : vector<16xf32>
      %add3A_342 = arith.addf %add3A_326, %mul3A_341 : vector<16xf32>
      %get3A_343 = arith.constant 1 : i32
      %get3A_344 = arith.constant 7 : i32
      %get3A_345 = arith.index_cast %get3A_343 : i32 to index
      %get3A_346 = arith.index_cast %select_n3A : i32 to index
      %get3A_347 = arith.index_cast %get3A_344 : i32 to index
      %get3A_348 = arith.index_cast %mul3A_98 : i32 to index
      %get3A_349 = tpu.vector_load %arg11[%get3A_345, %get3A_346, %get3A_347, %get3A_348] {strides = array<i32>} : memref<4x4x8x128xf32, #tpu.memory_space<vmem>>, vector<16xf32>,
      %get3A_350 = arith.constant 1 : i32
      %get3A_351 = arith.constant 7 : i32
      %get3A_352 = arith.index_cast %get3A_350 : i32 to index
      %get3A_353 = arith.index_cast %select_n3A : i32 to index
      %get3A_354 = arith.index_cast %get3A_351 : i32 to index
      %get3A_355 = arith.index_cast %mul3A_98 : i32 to index
      %get3A_356 = tpu.vector_load %arg12[%get3A_352, %get3A_353, %get3A_354, %get3A_355] {strides = array<i32>} : memref<4x4x8x128xf32, #tpu.memory_space<vmem>>, vector<16xf32>,
      %mul3A_357 = arith.mulf %get3A_349, %get3A_356 : vector<16xf32>
      %add3A_358 = arith.addf %add3A_342, %mul3A_357 : vector<16xf32>
      %get3A_359 = arith.constant 2 : i32
      %get3A_360 = arith.constant 0 : i32
      %get3A_361 = arith.index_cast %get3A_359 : i32 to index
      %get3A_362 = arith.index_cast %select_n3A : i32 to index
      %get3A_363 = arith.index_cast %get3A_360 : i32 to index
      %get3A_364 = arith.index_cast %mul3A_98 : i32 to index
      %get3A_365 = tpu.vector_load %arg11[%get3A_361, %get3A_362, %get3A_363, %get3A_364] {strides = array<i32>} : memref<4x4x8x128xf32, #tpu.memory_space<vmem>>, vector<16xf32>,
      %get3A_366 = arith.constant 2 : i32
      %get3A_367 = arith.constant 0 : i32
      %get3A_368 = arith.index_cast %get3A_366 : i32 to index
      %get3A_369 = arith.index_cast %select_n3A : i32 to index
      %get3A_370 = arith.index_cast %get3A_367 : i32 to index
      %get3A_371 = arith.index_cast %mul3A_98 : i32 to index
      %get3A_372 = tpu.vector_load %arg12[%get3A_368, %get3A_369, %get3A_370, %get3A_371] {strides = array<i32>} : memref<4x4x8x128xf32, #tpu.memory_space<vmem>>, vector<16xf32>,
      %mul3A_373 = arith.mulf %get3A_365, %get3A_372 : vector<16xf32>
      %add3A_374 = arith.addf %add3A_358, %mul3A_373 : vector<16xf32>
      %get3A_375 = arith.constant 2 : i32
      %get3A_376 = arith.constant 1 : i32
      %get3A_377 = arith.index_cast %get3A_375 : i32 to index
      %get3A_378 = arith.index_cast %select_n3A : i32 to index
      %get3A_379 = arith.index_cast %get3A_376 : i32 to index
      %get3A_380 = arith.index_cast %mul3A_98 : i32 to index
      %get3A_381 = tpu.vector_load %arg11[%get3A_377, %get3A_378, %get3A_379, %get3A_380] {strides = array<i32>} : memref<4x4x8x128xf32, #tpu.memory_space<vmem>>, vector<16xf32>,
      %get3A_382 = arith.constant 2 : i32
      %get3A_383 = arith.constant 1 : i32
      %get3A_384 = arith.index_cast %get3A_382 : i32 to index
      %get3A_385 = arith.index_cast %select_n3A : i32 to index
      %get3A_386 = arith.index_cast %get3A_383 : i32 to index
      %get3A_387 = arith.index_cast %mul3A_98 : i32 to index
      %get3A_388 = tpu.vector_load %arg12[%get3A_384, %get3A_385, %get3A_386, %get3A_387] {strides = array<i32>} : memref<4x4x8x128xf32, #tpu.memory_space<vmem>>, vector<16xf32>,
      %mul3A_389 = arith.mulf %get3A_381, %get3A_388 : vector<16xf32>
      %add3A_390 = arith.addf %add3A_374, %mul3A_389 : vector<16xf32>
      %get3A_391 = arith.constant 2 : i32
      %get3A_392 = arith.constant 2 : i32
      %get3A_393 = arith.index_cast %get3A_391 : i32 to index
      %get3A_394 = arith.index_cast %select_n3A : i32 to index
      %get3A_395 = arith.index_cast %get3A_392 : i32 to index
      %get3A_396 = arith.index_cast %mul3A_98 : i32 to index
      %get3A_397 = tpu.vector_load %arg11[%get3A_393, %get3A_394, %get3A_395, %get3A_396] {strides = array<i32>} : memref<4x4x8x128xf32, #tpu.memory_space<vmem>>, vector<16xf32>,
      %get3A_398 = arith.constant 2 : i32
      %get3A_399 = arith.constant 2 : i32
      %get3A_400 = arith.index_cast %get3A_398 : i32 to index
      %get3A_401 = arith.index_cast %select_n3A : i32 to index
      %get3A_402 = arith.index_cast %get3A_399 : i32 to index
      %get3A_403 = arith.index_cast %mul3A_98 : i32 to index
      %get3A_404 = tpu.vector_load %arg12[%get3A_400, %get3A_401, %get3A_402, %get3A_403] {strides = array<i32>} : memref<4x4x8x128xf32, #tpu.memory_space<vmem>>, vector<16xf32>,
      %mul3A_405 = arith.mulf %get3A_397, %get3A_404 : vector<16xf32>
      %add3A_406 = arith.addf %add3A_390, %mul3A_405 : vector<16xf32>
      %get3A_407 = arith.constant 2 : i32
      %get3A_408 = arith.constant 3 : i32
      %get3A_409 = arith.index_cast %get3A_407 : i32 to index
      %get3A_410 = arith.index_cast %select_n3A : i32 to index
      %get3A_411 = arith.index_cast %get3A_408 : i32 to index
      %get3A_412 = arith.index_cast %mul3A_98 : i32 to index
      %get3A_413 = tpu.vector_load %arg11[%get3A_409, %get3A_410, %get3A_411, %get3A_412] {strides = array<i32>} : memref<4x4x8x128xf32, #tpu.memory_space<vmem>>, vector<16xf32>,
      %get3A_414 = arith.constant 2 : i32
      %get3A_415 = arith.constant 3 : i32
      %get3A_416 = arith.index_cast %get3A_414 : i32 to index
      %get3A_417 = arith.index_cast %select_n3A : i32 to index
      %get3A_418 = arith.index_cast %get3A_415 : i32 to index
      %get3A_419 = arith.index_cast %mul3A_98 : i32 to index
      %get3A_420 = tpu.vector_load %arg12[%get3A_416, %get3A_417, %get3A_418, %get3A_419] {strides = array<i32>} : memref<4x4x8x128xf32, #tpu.memory_space<vmem>>, vector<16xf32>,
      %mul3A_421 = arith.mulf %get3A_413, %get3A_420 : vector<16xf32>
      %add3A_422 = arith.addf %add3A_406, %mul3A_421 : vector<16xf32>
      %get3A_423 = arith.constant 2 : i32
      %get3A_424 = arith.constant 4 : i32
      %get3A_425 = arith.index_cast %get3A_423 : i32 to index
      %get3A_426 = arith.index_cast %select_n3A : i32 to index
      %get3A_427 = arith.index_cast %get3A_424 : i32 to index
      %get3A_428 = arith.index_cast %mul3A_98 : i32 to index
      %get3A_429 = tpu.vector_load %arg11[%get3A_425, %get3A_426, %get3A_427, %get3A_428] {strides = array<i32>} : memref<4x4x8x128xf32, #tpu.memory_space<vmem>>, vector<16xf32>,
      %get3A_430 = arith.constant 2 : i32
      %get3A_431 = arith.constant 4 : i32
      %get3A_432 = arith.index_cast %get3A_430 : i32 to index
      %get3A_433 = arith.index_cast %select_n3A : i32 to index
      %get3A_434 = arith.index_cast %get3A_431 : i32 to index
      %get3A_435 = arith.index_cast %mul3A_98 : i32 to index
      %get3A_436 = tpu.vector_load %arg12[%get3A_432, %get3A_433, %get3A_434, %get3A_435] {strides = array<i32>} : memref<4x4x8x128xf32, #tpu.memory_space<vmem>>, vector<16xf32>,
      %mul3A_437 = arith.mulf %get3A_429, %get3A_436 : vector<16xf32>
      %add3A_438 = arith.addf %add3A_422, %mul3A_437 : vector<16xf32>
      %get3A_439 = arith.constant 2 : i32
      %get3A_440 = arith.constant 5 : i32
      %get3A_441 = arith.index_cast %get3A_439 : i32 to index
      %get3A_442 = arith.index_cast %select_n3A : i32 to index
      %get3A_443 = arith.index_cast %get3A_440 : i32 to index
      %get3A_444 = arith.index_cast %mul3A_98 : i32 to index
      %get3A_445 = tpu.vector_load %arg11[%get3A_441, %get3A_442, %get3A_443, %get3A_444] {strides = array<i32>} : memref<4x4x8x128xf32, #tpu.memory_space<vmem>>, vector<16xf32>,
      %get3A_446 = arith.constant 2 : i32
      %get3A_447 = arith.constant 5 : i32
      %get3A_448 = arith.index_cast %get3A_446 : i32 to index
      %get3A_449 = arith.index_cast %select_n3A : i32 to index
      %get3A_450 = arith.index_cast %get3A_447 : i32 to index
      %get3A_451 = arith.index_cast %mul3A_98 : i32 to index
      %get3A_452 = tpu.vector_load %arg12[%get3A_448, %get3A_449, %get3A_450, %get3A_451] {strides = array<i32>} : memref<4x4x8x128xf32, #tpu.memory_space<vmem>>, vector<16xf32>,
      %mul3A_453 = arith.mulf %get3A_445, %get3A_452 : vector<16xf32>
      %add3A_454 = arith.addf %add3A_438, %mul3A_453 : vector<16xf32>
      %get3A_455 = arith.constant 2 : i32
      %get3A_456 = arith.constant 6 : i32
      %get3A_457 = arith.index_cast %get3A_455 : i32 to index
      %get3A_458 = arith.index_cast %select_n3A : i32 to index
      %get3A_459 = arith.index_cast %get3A_456 : i32 to index
      %get3A_460 = arith.index_cast %mul3A_98 : i32 to index
      %get3A_461 = tpu.vector_load %arg11[%get3A_457, %get3A_458, %get3A_459, %get3A_460] {strides = array<i32>} : memref<4x4x8x128xf32, #tpu.memory_space<vmem>>, vector<16xf32>,
      %get3A_462 = arith.constant 2 : i32
      %get3A_463 = arith.constant 6 : i32
      %get3A_464 = arith.index_cast %get3A_462 : i32 to index
      %get3A_465 = arith.index_cast %select_n3A : i32 to index
      %get3A_466 = arith.index_cast %get3A_463 : i32 to index
      %get3A_467 = arith.index_cast %mul3A_98 : i32 to index
      %get3A_468 = tpu.vector_load %arg12[%get3A_464, %get3A_465, %get3A_466, %get3A_467] {strides = array<i32>} : memref<4x4x8x128xf32, #tpu.memory_space<vmem>>, vector<16xf32>,
      %mul3A_469 = arith.mulf %get3A_461, %get3A_468 : vector<16xf32>
      %add3A_470 = arith.addf %add3A_454, %mul3A_469 : vector<16xf32>
      %get3A_471 = arith.constant 2 : i32
      %get3A_472 = arith.constant 7 : i32
      %get3A_473 = arith.index_cast %get3A_471 : i32 to index
      %get3A_474 = arith.index_cast %select_n3A : i32 to index
      %get3A_475 = arith.index_cast %get3A_472 : i32 to index
      %get3A_476 = arith.index_cast %mul3A_98 : i32 to index
      %get3A_477 = tpu.vector_load %arg11[%get3A_473, %get3A_474, %get3A_475, %get3A_476] {strides = array<i32>} : memref<4x4x8x128xf32, #tpu.memory_space<vmem>>, vector<16xf32>,
      %get3A_478 = arith.constant 2 : i32
      %get3A_479 = arith.constant 7 : i32
      %get3A_480 = arith.index_cast %get3A_478 : i32 to index
      %get3A_481 = arith.index_cast %select_n3A : i32 to index
      %get3A_482 = arith.index_cast %get3A_479 : i32 to index
      %get3A_483 = arith.index_cast %mul3A_98 : i32 to index
      %get3A_484 = tpu.vector_load %arg12[%get3A_480, %get3A_481, %get3A_482, %get3A_483] {strides = array<i32>} : memref<4x4x8x128xf32, #tpu.memory_space<vmem>>, vector<16xf32>,
      %mul3A_485 = arith.mulf %get3A_477, %get3A_484 : vector<16xf32>
      %add3A_486 = arith.addf %add3A_470, %mul3A_485 : vector<16xf32>
      %get3A_487 = arith.constant 3 : i32
      %get3A_488 = arith.constant 0 : i32
      %get3A_489 = arith.index_cast %get3A_487 : i32 to index
      %get3A_490 = arith.index_cast %select_n3A : i32 to index
      %get3A_491 = arith.index_cast %get3A_488 : i32 to index
      %get3A_492 = arith.index_cast %mul3A_98 : i32 to index
      %get3A_493 = tpu.vector_load %arg11[%get3A_489, %get3A_490, %get3A_491, %get3A_492] {strides = array<i32>} : memref<4x4x8x128xf32, #tpu.memory_space<vmem>>, vector<16xf32>,
      %get3A_494 = arith.constant 3 : i32
      %get3A_495 = arith.constant 0 : i32
      %get3A_496 = arith.index_cast %get3A_494 : i32 to index
      %get3A_497 = arith.index_cast %select_n3A : i32 to index
      %get3A_498 = arith.index_cast %get3A_495 : i32 to index
      %get3A_499 = arith.index_cast %mul3A_98 : i32 to index
      %get3A_500 = tpu.vector_load %arg12[%get3A_496, %get3A_497, %get3A_498, %get3A_499] {strides = array<i32>} : memref<4x4x8x128xf32, #tpu.memory_space<vmem>>, vector<16xf32>,
      %mul3A_501 = arith.mulf %get3A_493, %get3A_500 : vector<16xf32>
      %add3A_502 = arith.addf %add3A_486, %mul3A_501 : vector<16xf32>
      %get3A_503 = arith.constant 3 : i32
      %get3A_504 = arith.constant 1 : i32
      %get3A_505 = arith.index_cast %get3A_503 : i32 to index
      %get3A_506 = arith.index_cast %select_n3A : i32 to index
      %get3A_507 = arith.index_cast %get3A_504 : i32 to index
      %get3A_508 = arith.index_cast %mul3A_98 : i32 to index
      %get3A_509 = tpu.vector_load %arg11[%get3A_505, %get3A_506, %get3A_507, %get3A_508] {strides = array<i32>} : memref<4x4x8x128xf32, #tpu.memory_space<vmem>>, vector<16xf32>,
      %get3A_510 = arith.constant 3 : i32
      %get3A_511 = arith.constant 1 : i32
      %get3A_512 = arith.index_cast %get3A_510 : i32 to index
      %get3A_513 = arith.index_cast %select_n3A : i32 to index
      %get3A_514 = arith.index_cast %get3A_511 : i32 to index
      %get3A_515 = arith.index_cast %mul3A_98 : i32 to index
      %get3A_516 = tpu.vector_load %arg12[%get3A_512, %get3A_513, %get3A_514, %get3A_515] {strides = array<i32>} : memref<4x4x8x128xf32, #tpu.memory_space<vmem>>, vector<16xf32>,
      %mul3A_517 = arith.mulf %get3A_509, %get3A_516 : vector<16xf32>
      %add3A_518 = arith.addf %add3A_502, %mul3A_517 : vector<16xf32>
      %get3A_519 = arith.constant 3 : i32
      %get3A_520 = arith.constant 2 : i32
      %get3A_521 = arith.index_cast %get3A_519 : i32 to index
      %get3A_522 = arith.index_cast %select_n3A : i32 to index
      %get3A_523 = arith.index_cast %get3A_520 : i32 to index
      %get3A_524 = arith.index_cast %mul3A_98 : i32 to index
      %get3A_525 = tpu.vector_load %arg11[%get3A_521, %get3A_522, %get3A_523, %get3A_524] {strides = array<i32>} : memref<4x4x8x128xf32, #tpu.memory_space<vmem>>, vector<16xf32>,
      %get3A_526 = arith.constant 3 : i32
      %get3A_527 = arith.constant 2 : i32
      %get3A_528 = arith.index_cast %get3A_526 : i32 to index
      %get3A_529 = arith.index_cast %select_n3A : i32 to index
      %get3A_530 = arith.index_cast %get3A_527 : i32 to index
      %get3A_531 = arith.index_cast %mul3A_98 : i32 to index
      %get3A_532 = tpu.vector_load %arg12[%get3A_528, %get3A_529, %get3A_530, %get3A_531] {strides = array<i32>} : memref<4x4x8x128xf32, #tpu.memory_space<vmem>>, vector<16xf32>,
      %mul3A_533 = arith.mulf %get3A_525, %get3A_532 : vector<16xf32>
      %add3A_534 = arith.addf %add3A_518, %mul3A_533 : vector<16xf32>
      %get3A_535 = arith.constant 3 : i32
      %get3A_536 = arith.constant 3 : i32
      %get3A_537 = arith.index_cast %get3A_535 : i32 to index
      %get3A_538 = arith.index_cast %select_n3A : i32 to index
      %get3A_539 = arith.index_cast %get3A_536 : i32 to index
      %get3A_540 = arith.index_cast %mul3A_98 : i32 to index
      %get3A_541 = tpu.vector_load %arg11[%get3A_537, %get3A_538, %get3A_539, %get3A_540] {strides = array<i32>} : memref<4x4x8x128xf32, #tpu.memory_space<vmem>>, vector<16xf32>,
      %get3A_542 = arith.constant 3 : i32
      %get3A_543 = arith.constant 3 : i32
      %get3A_544 = arith.index_cast %get3A_542 : i32 to index
      %get3A_545 = arith.index_cast %select_n3A : i32 to index
      %get3A_546 = arith.index_cast %get3A_543 : i32 to index
      %get3A_547 = arith.index_cast %mul3A_98 : i32 to index
      %get3A_548 = tpu.vector_load %arg12[%get3A_544, %get3A_545, %get3A_546, %get3A_547] {strides = array<i32>} : memref<4x4x8x128xf32, #tpu.memory_space<vmem>>, vector<16xf32>,
      %mul3A_549 = arith.mulf %get3A_541, %get3A_548 : vector<16xf32>
      %add3A_550 = arith.addf %add3A_534, %mul3A_549 : vector<16xf32>
      %get3A_551 = arith.constant 3 : i32
      %get3A_552 = arith.constant 4 : i32
      %get3A_553 = arith.index_cast %get3A_551 : i32 to index
      %get3A_554 = arith.index_cast %select_n3A : i32 to index
      %get3A_555 = arith.index_cast %get3A_552 : i32 to index
      %get3A_556 = arith.index_cast %mul3A_98 : i32 to index
      %get3A_557 = tpu.vector_load %arg11[%get3A_553, %get3A_554, %get3A_555, %get3A_556] {strides = array<i32>} : memref<4x4x8x128xf32, #tpu.memory_space<vmem>>, vector<16xf32>,
      %get3A_558 = arith.constant 3 : i32
      %get3A_559 = arith.constant 4 : i32
      %get3A_560 = arith.index_cast %get3A_558 : i32 to index
      %get3A_561 = arith.index_cast %select_n3A : i32 to index
      %get3A_562 = arith.index_cast %get3A_559 : i32 to index
      %get3A_563 = arith.index_cast %mul3A_98 : i32 to index
      %get3A_564 = tpu.vector_load %arg12[%get3A_560, %get3A_561, %get3A_562, %get3A_563] {strides = array<i32>} : memref<4x4x8x128xf32, #tpu.memory_space<vmem>>, vector<16xf32>,
      %mul3A_565 = arith.mulf %get3A_557, %get3A_564 : vector<16xf32>
      %add3A_566 = arith.addf %add3A_550, %mul3A_565 : vector<16xf32>
      %get3A_567 = arith.constant 3 : i32
      %get3A_568 = arith.constant 5 : i32
      %get3A_569 = arith.index_cast %get3A_567 : i32 to index
      %get3A_570 = arith.index_cast %select_n3A : i32 to index
      %get3A_571 = arith.index_cast %get3A_568 : i32 to index
      %get3A_572 = arith.index_cast %mul3A_98 : i32 to index
      %get3A_573 = tpu.vector_load %arg11[%get3A_569, %get3A_570, %get3A_571, %get3A_572] {strides = array<i32>} : memref<4x4x8x128xf32, #tpu.memory_space<vmem>>, vector<16xf32>,
      %get3A_574 = arith.constant 3 : i32
      %get3A_575 = arith.constant 5 : i32
      %get3A_576 = arith.index_cast %get3A_574 : i32 to index
      %get3A_577 = arith.index_cast %select_n3A : i32 to index
      %get3A_578 = arith.index_cast %get3A_575 : i32 to index
      %get3A_579 = arith.index_cast %mul3A_98 : i32 to index
      %get3A_580 = tpu.vector_load %arg12[%get3A_576, %get3A_577, %get3A_578, %get3A_579] {strides = array<i32>} : memref<4x4x8x128xf32, #tpu.memory_space<vmem>>, vector<16xf32>,
      %mul3A_581 = arith.mulf %get3A_573, %get3A_580 : vector<16xf32>
      %add3A_582 = arith.addf %add3A_566, %mul3A_581 : vector<16xf32>
      %get3A_583 = arith.constant 3 : i32
      %get3A_584 = arith.constant 6 : i32
      %get3A_585 = arith.index_cast %get3A_583 : i32 to index
      %get3A_586 = arith.index_cast %select_n3A : i32 to index
      %get3A_587 = arith.index_cast %get3A_584 : i32 to index
      %get3A_588 = arith.index_cast %mul3A_98 : i32 to index
      %get3A_589 = tpu.vector_load %arg11[%get3A_585, %get3A_586, %get3A_587, %get3A_588] {strides = array<i32>} : memref<4x4x8x128xf32, #tpu.memory_space<vmem>>, vector<16xf32>,
      %get3A_590 = arith.constant 3 : i32
      %get3A_591 = arith.constant 6 : i32
      %get3A_592 = arith.index_cast %get3A_590 : i32 to index
      %get3A_593 = arith.index_cast %select_n3A : i32 to index
      %get3A_594 = arith.index_cast %get3A_591 : i32 to index
      %get3A_595 = arith.index_cast %mul3A_98 : i32 to index
      %get3A_596 = tpu.vector_load %arg12[%get3A_592, %get3A_593, %get3A_594, %get3A_595] {strides = array<i32>} : memref<4x4x8x128xf32, #tpu.memory_space<vmem>>, vector<16xf32>,
      %mul3A_597 = arith.mulf %get3A_589, %get3A_596 : vector<16xf32>
      %add3A_598 = arith.addf %add3A_582, %mul3A_597 : vector<16xf32>
      %get3A_599 = arith.constant 3 : i32
      %get3A_600 = arith.constant 7 : i32
      %get3A_601 = arith.index_cast %get3A_599 : i32 to index
      %get3A_602 = arith.index_cast %select_n3A : i32 to index
      %get3A_603 = arith.index_cast %get3A_600 : i32 to index
      %get3A_604 = arith.index_cast %mul3A_98 : i32 to index
      %get3A_605 = tpu.vector_load %arg11[%get3A_601, %get3A_602, %get3A_603, %get3A_604] {strides = array<i32>} : memref<4x4x8x128xf32, #tpu.memory_space<vmem>>, vector<16xf32>,
      %get3A_606 = arith.constant 3 : i32
      %get3A_607 = arith.constant 7 : i32
      %get3A_608 = arith.index_cast %get3A_606 : i32 to index
      %get3A_609 = arith.index_cast %select_n3A : i32 to index
      %get3A_610 = arith.index_cast %get3A_607 : i32 to index
      %get3A_611 = arith.index_cast %mul3A_98 : i32 to index
      %get3A_612 = tpu.vector_load %arg12[%get3A_608, %get3A_609, %get3A_610, %get3A_611] {strides = array<i32>} : memref<4x4x8x128xf32, #tpu.memory_space<vmem>>, vector<16xf32>,
      %mul3A_613 = arith.mulf %get3A_605, %get3A_612 : vector<16xf32>
      %add3A_614 = arith.addf %add3A_598, %mul3A_613 : vector<16xf32>
      %swap3A = arith.index_cast %mul3A_66 : i32 to index
      %swap3A_615 = tpu.vector_load %arg15[%swap3A] {strides = array<i32>} : memref<512xf32, #tpu.memory_space<vmem>>, vector<16xf32>,
      tpu.vector_store %arg15[%swap3A], %add3A_614 {strides = array<i32>} : memref<512xf32, #tpu.memory_space<vmem>>, vector<16xf32>,
    }
    %scan3A_63 = arith.constant 32 : i32
    "tpu.region"() ({
      %run_scoped3A = tpu.sem_alloc : memref<!tpu.dma_semaphore, #tpu.memory_space<semaphore_mem>>
      %dma_start3A_64 = tpu.memref_slice %arg8[%mul3A_2] : memref<16384xf32, #tpu.memory_space<hbm>> -> memref<512xf32, #tpu.memory_space<hbm>>
      %dma_start3A_65 = tpu.memref_slice %arg8[%mul3A_2] : memref<16384xf32, #tpu.memory_space<hbm>> -> memref<512xf32, #tpu.memory_space<hbm>>
      tpu.enqueue_dma source(%arg15 : memref<512xf32, #tpu.memory_space<vmem>>) target(%dma_start3A_65 : memref<512xf32, #tpu.memory_space<hbm>>) target_semaphore(%run_scoped3A : memref<!tpu.dma_semaphore, #tpu.memory_space<semaphore_mem>>)
      %dma_wait3A_66 = tpu.memref_slice %arg8[%mul3A_2] : memref<16384xf32, #tpu.memory_space<hbm>> -> memref<512xf32, #tpu.memory_space<hbm>>
      %dma_wait3A_67 = tpu.memref_slice %arg8[%mul3A_2] : memref<16384xf32, #tpu.memory_space<hbm>> -> memref<512xf32, #tpu.memory_space<hbm>>
      tpu.wait_dma2 semaphore(%run_scoped3A : memref<!tpu.dma_semaphore, #tpu.memory_space<semaphore_mem>>) src(%arg15 : memref<512xf32, #tpu.memory_space<vmem>>) dst(%dma_wait3A_67 : memref<512xf32, #tpu.memory_space<hbm>>)
      tpu.yield
    }) : () -> ()
    return
  }
}

</mosaic_0001>

<sc_bundles>
// kernel: gather_offload_async_start.1
scs
__scs_entry_jumppad:
0x0: {  	(pc) =	sbr.rel $0x88, $3  }
0x1: {  	(tag) =	ssettag $0x0;
	lr =	simm.s32 $0x1  }
0x2: {  	[smem:$0x3F9B] =	sst lr;
	_ =	strace $0xD0000000  }
0x3: {  	_ = 	snop  }
0x4: {  	_ = 	snop  }
0x5: {  	_ = 	snop  }
0x6: {  	_ = 	snop  }
0x7: {  	_ = 	snop  }
__scs_overlays_trampoline_lowered:
0x8: {  	[smem:$0x3FAA] =	sst s0  }
0x9: {  	[smem:$0x3FAB] =	sst s1  }
0xa: {  	[smem:$0x3FAC] =	sst s2  }
0xb: {  	[smem:$0x3FAD] =	sst s3  }
0xc: {  	[smem:$0x3FAE] =	sst s4  }
0xd: {  	[smem:$0x3FAF] =	sst s5  }
0xe: {  	[smem:$0x3FB0] =	sst s6  }
0xf: {  	[smem:$0x3FB1] =	sst s7  }
0x10: {  	[smem:$0x3FB2] =	sst s8  }
0x11: {  	[smem:$0x3FB3] =	sst s9;
	s0 =	simm.s32 @!p0 $0x0  }
0x12: {  	s1 =	sld [smem:$0x3F99];
	s0 =	simm.s32 @p0 $0x1  }
0x13: {  	[smem:$0x3FB4] =	sst s0;
	s0 =	simm.s32 @!p1 $0x0  }
0x14: {  	s2 =	sld [smem:$0x3F98];
	s0 =	simm.s32 @p1 $0x1  }
0x15: {  	[smem:$0x3FB5] =	sst s0;
	s0 =	simm.s32 @!p2 $0x0  }
0x16: {  	s3 =	sld [smem:$0x3FDB];
	s0 =	simm.s32 @p2 $0x1  }
0x17: {  	s4 =	simm.s32 $0x1BF5;
	[smem:$0x3FB7] =	sst s0  }
0x18: {  	s0 =	sld [smem:$0x3F9A];
	_ =	swait.ge [sflag:s4], $0x0  }
0x19: {  	s7 =	sld [smem:$0x3F9B]  }
0x1a: {  	s8 =	sadd.s32 $0xFFFFE003, lr  }
0x1b: {  	s9 =	sadd.s32 $0xFFFFFEF7, lr;
	s5 =	simm.s32 $0xFFFFFFFF;
	p2 =	slt.u32 s8, $0xFFFFF086  }
0x1c: {  	p1 =	slt.u32 s9, $0xF7A;
	s5 =	simm.s32 @!p2 $0x0  }
0x1d: {  	s5 =	simm.s32 @p1 $0x1;
	p0 =	seq.s32 s7, s2  }
0x1e: {  	s7 =	smul.u32 @!p0 $0xF7A, s2;
	p2 =	seq.s32 @!p0 s5, $0x0  }
0x1f: {  	s9 =	smul.u32 $0xF7A, s1;
	s8 =	simm.s32 @!p0 $0x1BF5;
	p2 =	por !p2, p0  }
0x20: {  	[sflag:s8] =	ssyncset.s32 @!p0 $0xFFFFF086;
	s6 =	sadd.s32 @!p0 s3, s7;
	s7 =	simm.s32 @!p0 $0x108  }
0x21: {  	s3 =	sadd.s32 s3, s9;
	s6 =	sadd.s32 @!p0 $0x88, s6;
	s7 =	simm.s32 @p2 $0x1082  }
0x22: {  	[simem:s7], [sflag:s8] =	dma.local @!p0 [hbm:s6], $0xF7A  }
0x23: {  	s9 =	sor.u32 $0xD0000000, s2;
	s6 =	simm.s32 $0x108;
	_ =	swait.ge @!p0 [sflag:s8], $0x0  }
0x24: {  	s3 =	sadd.s32 $0x88, s3;
	s6 =	simm.s32 @!p1 $0x1082;
	[sflag:s4] =	ssyncset.s32 $0xFFFFF086  }
0x25: {  	[simem:s6], [sflag:s4] =	dma.local [hbm:s3], $0xF7A  }
0x26: {  	[smem:$0x3F9B] =	sst s1;
	(tag) =	ssettag s2;
	_ =	strace s9  }
0x27: {  	s1 =	sld [smem:$0x3FAB]  }
0x28: {  	s2 =	sld [smem:$0x3FAC]  }
0x29: {  	s4 =	sld [smem:$0x3FAE]  }
0x2a: {  	p0 =	seq.s32 s5, $0x0;
	s5 =	sld [smem:$0x3FAF]  }
0x2b: {  	s6 =	sld [smem:$0x3FB0]  }
0x2c: {  	s7 =	sld [smem:$0x3FB1]  }
0x2d: {  	s3 =	simm.s32 $0x108;
	s8 =	sld [smem:$0x3FB2]  }
0x2e: {  	s3 =	simm.s32 @!p0 $0x1082;
	s9 =	sld [smem:$0x3FB3]  }
0x2f: {  	lr =	sadd.s32 s0, s3;
	s0 =	sld [smem:$0x3FAA]  }
0x30: {  	s3 =	sld [smem:$0x3FAD]  }
0x31: {  	[smem:$0x3FB6] =	sst s10  }
0x32: {  	s10 =	sld [smem:$0x3FB4];
	_ =	sdelay $0x3  }
0x33: {  	p0 =	seq.s32 s10, $0x1;
	s10 =	sld [smem:$0x3FB6];
	_ =	sdelay $0x3  }
0x34: {  	[smem:$0x3FB6] =	sst s10  }
0x35: {  	s10 =	sld [smem:$0x3FB5];
	_ =	sdelay $0x3  }
0x36: {  	p1 =	seq.s32 s10, $0x1;
	s10 =	sld [smem:$0x3FB6];
	_ =	sdelay $0x3  }
0x37: {  	[smem:$0x3FB6] =	sst s10  }
0x38: {  	s10 =	sld [smem:$0x3FB7]  }
0x39: {  	_ = 	snop;
	(pc) =	sbr.ind lr, $3  }
0x3a: {  	_ = 	snop  }
0x3b: {  	_ = 	snop  }
0x3c: {  	p2 =	seq.s32 s10, $0x1;
	s10 =	sld [smem:$0x3FB6]  }
0x3d: {  	_ =	shalt  }
0x3e: {  	_ =	shalt  }
0x3f: {  	_ =	shalt  }
0x40: {  	_ =	shalt  }
0x41: {  	_ =	shalt  }
0x42: {  	_ =	shalt  }
0x43: {  	_ =	shalt  }
0x44: {  	_ =	shalt  }
0x45: {  	_ =	shalt  }
0x46: {  	_ =	shalt  }
0x47: {  	_ =	shalt  }
0x48: {  	_ =	shalt  }
0x49: {  	_ =	shalt  }
0x4a: {  	_ =	shalt  }
0x4b: {  	_ =	shalt  }
0x4c: {  	_ =	shalt  }
0x4d: {  	_ =	shalt  }
0x4e: {  	_ =	shalt  }
0x4f: {  	_ =	shalt  }
0x50: {  	_ =	shalt  }
0x51: {  	_ =	shalt  }
0x52: {  	_ =	shalt  }
0x53: {  	_ =	shalt  }
0x54: {  	_ =	shalt  }
0x55: {  	_ =	shalt  }
0x56: {  	_ =	shalt  }
0x57: {  	_ =	shalt  }
0x58: {  	_ =	shalt  }
0x59: {  	_ =	shalt  }
0x5a: {  	_ =	shalt  }
0x5b: {  	_ =	shalt  }
0x5c: {  	_ =	shalt  }
0x5d: {  	_ =	shalt  }
0x5e: {  	_ =	shalt  }
0x5f: {  	_ =	shalt  }
0x60: {  	_ =	shalt  }
0x61: {  	_ =	shalt  }
0x62: {  	_ =	shalt  }
0x63: {  	_ =	shalt  }
0x64: {  	_ =	shalt  }
0x65: {  	_ =	shalt  }
0x66: {  	_ =	shalt  }
0x67: {  	_ =	shalt  }
0x68: {  	_ =	shalt  }
0x69: {  	_ =	shalt  }
0x6a: {  	_ =	shalt  }
0x6b: {  	_ =	shalt  }
0x6c: {  	_ =	shalt  }
0x6d: {  	_ =	shalt  }
0x6e: {  	_ =	shalt  }
0x6f: {  	_ =	shalt  }
0x70: {  	_ =	shalt  }
0x71: {  	_ =	shalt  }
0x72: {  	_ =	shalt  }
0x73: {  	_ =	shalt  }
0x74: {  	_ =	shalt  }
0x75: {  	_ =	shalt  }
0x76: {  	_ =	shalt  }
0x77: {  	_ =	shalt  }
0x78: {  	_ =	shalt  }
0x79: {  	_ =	shalt  }
0x7a: {  	_ =	shalt  }
0x7b: {  	_ =	shalt  }
0x7c: {  	_ =	shalt  }
0x7d: {  	_ =	shalt  }
0x7e: {  	_ =	shalt  }
0x7f: {  	_ =	shalt  }
0x80: {  	_ =	shalt  }
0x81: {  	_ =	shalt  }
0x82: {  	_ =	shalt  }
0x83: {  	_ =	shalt  }
0x84: {  	_ =	shalt  }
0x85: {  	_ =	shalt  }
0x86: {  	_ =	shalt  }
0x87: {  	_ =	shalt  }
.Lfunc_end0:
.L_simem_size_0:
called_computation.1_lowered:
.L_overlay_start_0:
0x88: {  	s2 =	sld [smem:$0x3FD9]  }
0x89: {  	s3 =	sld [smem:$0x3FFE];
	_ =	sdelay $0x1  }
0x8a: {  	s1 =	srdreg.scid  }
0x8b: {  	s0 =	sand.u32 $0x1, s1  }
0x8c: {  	s16 =	sshll.u32 s0, $0xA;
	s2 =	sadd.s32 s3, s2  }
0x8d: {  	s2 =	sadd.s32 s2, s16  }
0x8e: {  	[smem:$0x3FC2] =	sst s2  }
0x8f: {  	_ = 	snop  }
0x90: {  	(tm) =	ssettm $0x1  }
0x91: {  	s17 =	sld [smem:$0x3FFB];
	_ =	sdelay $0x3  }
0x92: {  	_ =	strace s17  }
0x93: {  	s2 =	sld [smem:$0x3FFC];
	_ =	sdelay $0x3  }
0x94: {  	_ =	strace s2  }
0x95: {  	s2 =	sld [smem:$0x3FFD];
	_ =	sdelay $0x3  }
0x96: {  	_ =	strace s2  }
0x97: {  	_ =	strace $0x8FFFFFFF  }
0x98: {  	s18 =	sld [smem:$0x3FDB];
	_ =	sdelay $0x1  }
0x99: {  	s19 =	simm.s32 $_scs_section_size  }
0x9a: {  	s4 =	simm.s32 $_size__tile_overlayer_lowered;
	s5 =	simm.s32 $_tile_overlayer_lowered  }
0x9b: {  	s22 =	simm.s32 $0x1BFF;
	s21 =	sshll.u32 s5, $0x1;
	s2 =	sadd.s32 s19, s18  }
0x9c: {  	s6 =	simm.s32 $0x0;
	s20 =	sshll.u32 s4, $0x1;
	s4 =	sadd.s32 s21, s2  }
0x9d: {  	[timem:s6], [sflag:s22] =	dma.local [hbm:s4], s20  }
0x9e: {  	_ =	swait.ge [sflag:s22], s20  }
0x9f: {  	s3 =	ssub.s32 $0x0, s20;
	[sflag:s22] =	ssyncset.done $0x0  }
0xa0: {  	[sflag:s22] =	ssyncadd.s32 s3;
	_ =	sdelay $0x1  }
0xa1: {  	s23 =	simm.s32 $0x1B8B  }
0xa2: {  	_ =	swait.ge [sflag:s23], $0x1  }
0xa3: {  	[sflag:s23] =	ssyncset.done $0x0  }
0xa4: {  	s25 =	simm.s32 $0x1B8E;
	s24 =	sld [smem:$0x3FFE];
	[sflag:s23] =	ssyncadd.s32 $0xFFFFFFFF  }
0xa5: {  	s26 =	simm.s32 $execute0_lowered;
	[smem:$0x3FD2] =	sst s25  }
0xa6: {  	s4 =	sshll.u32 s26, $0x1;
	_ =	strace $0x80000046;
	[dreg:$0x1] =	wrdreg $0xFFFFFFFF  }
0xa7: {  	s28 =	simm.s32 $_size_execute0_lowered;
	s2 =	sadd.s32 s2, s4;
	[dreg:$0x0] =	wrdreg $0x0  }
0xa8: {  	s4 =	sshll.u32 s28, $0x1;
	[dreg:$0x2] =	wrdreg s2  }
0xa9: {  	[dreg:$0x3] =	wrdreg s4  }
0xaa: {  	[dreg:$0x4] =	wrdreg $0xC0  }
0xab: {  	_ =	task [dreg:s6], $0x5FFFF  }
0xac: {  	[dreg:$0x1] =	wrdreg $0xFFFFFFFF  }
0xad: {  	[dreg:$0x0] =	wrdreg $0x60  }
0xae: {  	[dreg:$0x2] =	wrdreg s24  }
0xaf: {  	[dreg:$0x3] =	wrdreg $0xA  }
0xb0: {  	_ =	task.clear_ibuf [dreg:s6], $0x4FFFF;
	_ =	strace $0x90000046  }
0xb1: {  	s29 =	simm.s32 $0xA;
	_ =	strace $0x80000048  }
0xb2: {  	_ =	swait.ge [sflag:s29], $0x1  }
0xb3: {  	[sflag:s29] =	ssyncadd.s32 $0xFFFFFFFF  }
0xb4: {  	_ =	strace $0x90000048  }
0xb5: {  	_ =	sfence  }
0xb6: {  	s30 =	sld [smem:$0x0];
	_ =	sdelay $0x2  }
0xb7: {  	s31 =	sshll.u32 s1, $0xD;
	s1 =	sshrl.u32 s1, $0x2  }
0xb8: {  	s3 =	sand.u32 $0x4000, s31;
	s1 =	sadd.s32 s1, s30  }
0xb9: {  	s0 =	sor.u32 s3, s0;
	s1 =	sshll.u32 s1, $0x11  }
0xba: {  	s0 =	sor.u32 s1, s0  }
0xbb: {  	s0 =	sadd.s32 $0x8F2B, s0  }
0xbc: {  	[sflag:s0] =	ssyncadd.remote.s32 $0x1  }
0xbd: {  	_ =	sfence.sel $0xFFFF  }
0xbe: {  	[dreg:$0x0] =	wrdreg $0xFFFFFFFF;
	(pc) =	sbr.abs _section_cstart, $3  }
0xbf: {  	[dreg:$0x1] =	wrdreg $0xFFFFFFFF  }
0xc0: {  	_ =	task.clear_ibuf [dreg:s6], $0x2FFFF;
	_ =	strace $0x9FFFFFFF  }
0xc1: {  	(tm) =	ssettm $0x7FFFFFFF  }
tec
execute0_lowered:
.L_overlay_start_1:
0x0: {  	(tag) =	ssettag $0x1  }
0x1: {  	s7 =	rddreg [dreg:$0x0]  }
0x2: {  	s0 =	rddreg [dreg:$0x1];
	_ =	strace $0x80000047  }
0x3: {  	s1 =	srdreg.scid;
	s4 =	simm.s32 $0x1;
	s9 =	simm.s32 $0x3  }
0x4: {  	s11 =	simm.s32 $0x0;
	p0 =	por $0x0, $0x0;
	s5 =	sshll.u32 s1, $0x4  }
.Ltmp0:
0x5: {  	s1 =	stileid.u32;
	s5 =	sand.u32 $0x10, s5;
	(pc) =	sbr.rel .LBB2_1-.Ltmp0, $4  }
0x6: {  	s2 =	sadd.s32 $0xA00, s7;
	s3 =	sadd.s32 $0x187400, s7;
	s6 =	sor.u32 s1, s5  }
0x7: {  	[sflag:s4] =	ssyncpa.u1 $0x0;
	s5 =	simm.s32 $0x2;
	s6 =	sshll.u32 s6, $0x9  }
0x8: {  	s7 =	sadd.s32 $0x187C00, s7;
	[sflag:s5] =	ssyncpa.u1 $0x0;
	s8 =	sadd.s32 $0x200, s6  }
0x9: {  	vm0 =	vmmov $0xff;
	vm1 =	vcmask $0x3F20;
	[sflag:s9] =	ssyncpa.u1 $0x0;
	s10 =	smov.u32 s6;
	s9 =	simm.s32 $0x0  }
.LBB2_7:
0xa: {  	p1 =	slt.u32 s9, $0x2;
	s11 =	sadd.s32 $0x100, s10  }
0xb: {  	s13 =	smov.u32 s6;
	s9 =	sadd.s32 $0x1, s9;
	p2 =	slt.s32 s11, s8  }
0xc: {  	s13 =	smov.u32 @p2 s11;
	p2 =	sne.s32 s9, $0x4  }
.Ltmp1:
0xd: {  	_ = 	snop;
	(pc) =	sbr.rel @!p2 .LBB2_8-.Ltmp1, $4  }
0xe: {  	s12 =	simm.s32 @!p1 $0x3  }
0xf: {  	_ =	swait.ge @!p1 [sflag:s12], $0x8000  }
0x10: {  	p0 =	por !p0, !p0;
	[sflag:s12] =	ssyncset.done @!p1 $0x0  }
0x11: {  	s11 =	smov.u32 s10;
	s10 =	smov.u32 s13;
	[sflag:s12] =	ssyncadd.s32 @!p1 $0xFFFF8000  }
.LBB2_1:
0x12: {  	p1 =	sgt.u32 s9, $0x1  }
0x13: {  	s12 =	sshll.u32 @!p1 s9, $0x8;
	s13 =	sshrl.u32 @!p1 s10, $0x3  }
0x14: {  	s14 =	sand.u32 @!p1 $0x7, s10;
	s12 =	sxor.u32 @!p1 $0x100, s12;
	s13 =	sadd.s32 @!p1 s3, s13  }
0x15: {  	[tilespmem:s12], [sflag:$0x2] =	stream.linear.gather @!p1 [hbm4b:s13+s14], $0x100, $0x38;
	[tilespmem:$0x10200] =	vst v63  }
0x16: {  	p1 =	seq.s32 s9, $0x0  }
0x17: {  	p2 =	seq.s32 @!p1 s9, $0x3  }
0x18: {  	p1 =	por p1, p2  }
.Ltmp2:
0x19: {  	_ = 	snop;
	(pc) =	sbr.rel @p1 .LBB2_7-.Ltmp2, $1  }
0x1a: {  	_ =	sdelay $0x3  }
0x1b: {  	s12 =	simm.s32 $0x1  }
0x1c: {  	_ =	swait.ge [sflag:s5], $0x100;
	s12 =	simm.s32 @!p0 $0x0  }
0x1d: {  	[sflag:s5] =	ssyncset.done $0x0;
	s14 =	sshll.u32 s12, $0x8  }
0x1e: {  	[sflag:s5] =	ssyncadd.s32 $0xFFFFFF00;
	s13 =	sadd.s32 $0x0, s14  }
0x1f: {  	v0 =	vld.msk [tilespmem:s13+$0x0 ss:$0x1], $0xffff;
	_ =	sdelay $0x4  }
0x20: {  	vm2 =	vgt.s32 v0, $0x0  }
0x21: {  	v0 =	vnsel vm2, $0x0, v0  }
0x22: {  	v0 =	vmin.u32 v0, $0x1869F  }
0x23: {  	v0 =	vshll.u32 v0, $0x4;
	_ =	sdelay $0x2  }
0x24: {  	s12 =	sshll.u32 s12, $0xF  }
0x25: {  	s12 =	sor.u32 $0x200, s12  }
0x26: {  	[tilespmem:s12], [sflag:$0x1] =	stream.indirect_vreg.gather [hbm:s2], $0x80, v0, vm0, $0x38;
	[tilespmem:$0x10200] =	vst v63  }
0x27: {  	s15 =	sadd.s32 $0x10, s14;
	s13 =	sadd.s32 $0x400, s12  }
0x28: {  	[tilespmem:s13], [sflag:$0x1] =	stream.indirect_vreg.gather [hbm:s2], $0x80, v0, vm1, $0x38;
	[tilespmem:$0x10200] =	vst v63  }
0x29: {  	s16 =	simm.s32 $0x80;
	v0 =	vld.msk [tilespmem:s15+$0x0 ss:$0x1], $0xffff;
	s15 =	smov.u32 s12  }
.LBB2_3:
0x2a: {  	p1 =	sne.s32 s16, $0x3C0;
	_ =	sdelay $0x4  }
0x2b: {  	vm2 =	vgt.s32 v0, $0x0  }
0x2c: {  	v0 =	vnsel vm2, $0x0, v0  }
0x2d: {  	v0 =	vmin.u32 v0, $0x1869F  }
0x2e: {  	v0 =	vshll.u32 v0, $0x4;
	_ =	sdelay $0x3  }
.Ltmp3:
0x2f: {  	s17 =	sshra.s32 s16, $0x2;
	s15 =	sadd.s32 $0x800, s15;
	(pc) =	sbr.rel @p1 .LBB2_3-.Ltmp3, $4  }
0x30: {  	[tilespmem:s15], [sflag:$0x1] =	stream.indirect_vreg.gather [hbm:s2], $0x80, v0, vm0, $0x38;
	[tilespmem:$0x10200] =	vst v63  }
0x31: {  	s17 =	sadd.s32 s17, s14;
	s18 =	sadd.s32 $0x400, s15  }
0x32: {  	[tilespmem:s18], [sflag:$0x1] =	stream.indirect_vreg.gather [hbm:s2], $0x80, v0, vm1, $0x38;
	[tilespmem:$0x10200] =	vst v63  }
0x33: {  	s16 =	sadd.s32 $0x40, s16;
	v0 =	vld.msk [tilespmem:s17+$0x0 ss:$0x1], $0xffff  }
0x34: {  	_ =	sdelay $0x3  }
0x35: {  	vm2 =	vgt.s32 v0, $0x0  }
0x36: {  	v0 =	vnsel vm2, $0x0, v0  }
0x37: {  	v0 =	vmin.u32 v0, $0x1869F  }
0x38: {  	v0 =	vshll.u32 v0, $0x4;
	_ =	sdelay $0x3  }
0x39: {  	s14 =	sadd.s32 $0x800, s15  }
0x3a: {  	[tilespmem:s14], [sflag:$0x1] =	stream.indirect_vreg.gather [hbm:s2], $0x80, v0, vm0, $0x38;
	[tilespmem:$0x10200] =	vst v63  }
0x3b: {  	s14 =	sadd.s32 $0x400, s14  }
0x3c: {  	[tilespmem:s14], [sflag:$0x1] =	stream.indirect_vreg.gather [hbm:s2], $0x80, v0, vm1, $0x38;
	[tilespmem:$0x10200] =	vst v63  }
0x3d: {  	s11 =	sshll.u32 s11, $0x4;
	_ =	swait.ge [sflag:s4], $0x8000  }
0x3e: {  	s11 =	sadd.s32 s11, s7;
	[sflag:s4] =	ssyncset.done $0x0  }
0x3f: {  	s15 =	sadd.s32 $0x0, s11;
	s14 =	simm.s32 $0x80;
	[sflag:s4] =	ssyncadd.s32 $0xFFFF8000  }
.LBB2_5:
0x40: {  	[hbm:s15] =	stream.linear.scatter [tilespmem:s12], [sflag:$0x3], $0x400, $0x38;
	[tilespmem:$0x10200] =	vst v63  }
0x41: {  	s15 =	smov.u32 s14;
	s12 =	smov.u32 s13;
	p1 =	sne.s32 s14, $0xF80  }
.Ltmp4:
0x42: {  	s14 =	sadd.s32 $0x80, s14;
	(pc) =	sbr.rel @p1 .LBB2_5-.Ltmp4, $2  }
0x43: {  	_ =	sdelay $0x2  }
0x44: {  	s13 =	sadd.s32 $0x400, s13;
	s15 =	sadd.s32 s15, s11  }
.Ltmp5:
0x45: {  	(pc) =	sbr.rel .LBB2_7-.Ltmp5, $2  }
0x46: {  	_ =	sdelay $0x2  }
0x47: {  	[hbm:s15] =	stream.linear.scatter [tilespmem:s12], [sflag:$0x3], $0x400, $0x38;
	[tilespmem:$0x10200] =	vst v63  }
.LBB2_8:
0x48: {  	_ =	sfence.sel $0x180000  }
0x49: {  	s2 =	simm.s32 $0x2;
	[bflag:$0x0] =	sbarrier.arrive $0xFFFF  }
0x4a: {  	s30 =	simm.s32 $0x3;
	[sflag:s2] =	ssyncpa.u1 $0x1  }
0x4b: {  	s31 =	simm.s32 $0x1;
	[sflag:s30] =	ssyncpa.u1 $0x1  }
0x4c: {  	[sflag:s31] =	ssyncpa.u1 $0x1  }
0x4d: {  	p0 =	sne.s32 s1, $0x0;
	_ =	strace $0x90000047  }
0x4e: {  	s0 =	sadd.s32 @!p0 $0x100000, s0;
	[bflag:$0x2] =	sbarrier.arrive $0xFFFF  }
0x4f: {  	[sflag:s0] =	ssyncadd.tile.s32 @!p0 $0x1;
	_ =	shalt  }
.Lfunc_end2:
_tile_overlayer_lowered:
.L_overlay_start_2:
0x50: {  	(tag) =	ssettag $0x2  }
0x51: {  	s0 =	rddreg [dreg:$0x0];
	s2 =	stileid.u32  }
0x52: {  	s1 =	rddreg [dreg:$0x1];
	p0 =	sne.s32 s2, $0x0  }
0x53: {  	s3 =	rddreg [dreg:$0x2];
	[bflag:$0x3] =	sbarrier.arrive $0xFFFF;
	s2 =	simm.s32 @!p0 $0x1C01  }
0x54: {  	[timem:s3], [sflag:s2] =	dma.local @!p0 [hbm:s0], s1  }
0x55: {  	s0 =	simm.s32 @!p0 $0x1  }
0x56: {  	_ =	swait.ge @!p0 [sflag:s0], s1  }
0x57: {  	s1 =	ssub.s32 @!p0 $0x0, s1;
	[sflag:s0] =	ssyncset.done @!p0 $0x0  }
0x58: {  	[sflag:s0] =	ssyncadd.s32 @!p0 s1  }
0x59: {  	[bflag:$0x3] =	sbarrier.arrive $0xFFFF  }
0x5a: {  	_ =	shalt  }

// kernel: gather_offload_async_start
scs
__scs_entry_jumppad:
0x0: {  	(pc) =	sbr.rel $0x88, $3  }
0x1: {  	(tag) =	ssettag $0x0;
	lr =	simm.s32 $0x1  }
0x2: {  	[smem:$0x3F9B] =	sst lr;
	_ =	strace $0xD0000000  }
0x3: {  	_ = 	snop  }
0x4: {  	_ = 	snop  }
0x5: {  	_ = 	snop  }
0x6: {  	_ = 	snop  }
0x7: {  	_ = 	snop  }
__scs_overlays_trampoline_lowered:
0x8: {  	[smem:$0x3FAA] =	sst s0  }
0x9: {  	[smem:$0x3FAB] =	sst s1  }
0xa: {  	[smem:$0x3FAC] =	sst s2  }
0xb: {  	[smem:$0x3FAD] =	sst s3  }
0xc: {  	[smem:$0x3FAE] =	sst s4  }
0xd: {  	[smem:$0x3FAF] =	sst s5  }
0xe: {  	[smem:$0x3FB0] =	sst s6  }
0xf: {  	[smem:$0x3FB1] =	sst s7  }
0x10: {  	[smem:$0x3FB2] =	sst s8  }
0x11: {  	[smem:$0x3FB3] =	sst s9;
	s0 =	simm.s32 @!p0 $0x0  }
0x12: {  	s1 =	sld [smem:$0x3F99];
	s0 =	simm.s32 @p0 $0x1  }
0x13: {  	[smem:$0x3FB4] =	sst s0;
	s0 =	simm.s32 @!p1 $0x0  }
0x14: {  	s2 =	sld [smem:$0x3F98];
	s0 =	simm.s32 @p1 $0x1  }
0x15: {  	[smem:$0x3FB5] =	sst s0;
	s0 =	simm.s32 @!p2 $0x0  }
0x16: {  	s3 =	sld [smem:$0x3FDB];
	s0 =	simm.s32 @p2 $0x1  }
0x17: {  	s4 =	simm.s32 $0x1BF5;
	[smem:$0x3FB7] =	sst s0  }
0x18: {  	s0 =	sld [smem:$0x3F9A];
	_ =	swait.ge [sflag:s4], $0x0  }
0x19: {  	s7 =	sld [smem:$0x3F9B]  }
0x1a: {  	s8 =	sadd.s32 $0xFFFFE003, lr  }
0x1b: {  	s9 =	sadd.s32 $0xFFFFFEF7, lr;
	s5 =	simm.s32 $0xFFFFFFFF;
	p2 =	slt.u32 s8, $0xFFFFF086  }
0x1c: {  	p1 =	slt.u32 s9, $0xF7A;
	s5 =	simm.s32 @!p2 $0x0  }
0x1d: {  	s5 =	simm.s32 @p1 $0x1;
	p0 =	seq.s32 s7, s2  }
0x1e: {  	s7 =	smul.u32 @!p0 $0xF7A, s2;
	p2 =	seq.s32 @!p0 s5, $0x0  }
0x1f: {  	s9 =	smul.u32 $0xF7A, s1;
	s8 =	simm.s32 @!p0 $0x1BF5;
	p2 =	por !p2, p0  }
0x20: {  	[sflag:s8] =	ssyncset.s32 @!p0 $0xFFFFF086;
	s6 =	sadd.s32 @!p0 s3, s7;
	s7 =	simm.s32 @!p0 $0x108  }
0x21: {  	s3 =	sadd.s32 s3, s9;
	s6 =	sadd.s32 @!p0 $0x88, s6;
	s7 =	simm.s32 @p2 $0x1082  }
0x22: {  	[simem:s7], [sflag:s8] =	dma.local @!p0 [hbm:s6], $0xF7A  }
0x23: {  	s9 =	sor.u32 $0xD0000000, s2;
	s6 =	simm.s32 $0x108;
	_ =	swait.ge @!p0 [sflag:s8], $0x0  }
0x24: {  	s3 =	sadd.s32 $0x88, s3;
	s6 =	simm.s32 @!p1 $0x1082;
	[sflag:s4] =	ssyncset.s32 $0xFFFFF086  }
0x25: {  	[simem:s6], [sflag:s4] =	dma.local [hbm:s3], $0xF7A  }
0x26: {  	[smem:$0x3F9B] =	sst s1;
	(tag) =	ssettag s2;
	_ =	strace s9  }
0x27: {  	s1 =	sld [smem:$0x3FAB]  }
0x28: {  	s2 =	sld [smem:$0x3FAC]  }
0x29: {  	s4 =	sld [smem:$0x3FAE]  }
0x2a: {  	p0 =	seq.s32 s5, $0x0;
	s5 =	sld [smem:$0x3FAF]  }
0x2b: {  	s6 =	sld [smem:$0x3FB0]  }
0x2c: {  	s7 =	sld [smem:$0x3FB1]  }
0x2d: {  	s3 =	simm.s32 $0x108;
	s8 =	sld [smem:$0x3FB2]  }
0x2e: {  	s3 =	simm.s32 @!p0 $0x1082;
	s9 =	sld [smem:$0x3FB3]  }
0x2f: {  	lr =	sadd.s32 s0, s3;
	s0 =	sld [smem:$0x3FAA]  }
0x30: {  	s3 =	sld [smem:$0x3FAD]  }
0x31: {  	[smem:$0x3FB6] =	sst s10  }
0x32: {  	s10 =	sld [smem:$0x3FB4];
	_ =	sdelay $0x3  }
0x33: {  	p0 =	seq.s32 s10, $0x1;
	s10 =	sld [smem:$0x3FB6];
	_ =	sdelay $0x3  }
0x34: {  	[smem:$0x3FB6] =	sst s10  }
0x35: {  	s10 =	sld [smem:$0x3FB5];
	_ =	sdelay $0x3  }
0x36: {  	p1 =	seq.s32 s10, $0x1;
	s10 =	sld [smem:$0x3FB6];
	_ =	sdelay $0x3  }
0x37: {  	[smem:$0x3FB6] =	sst s10  }
0x38: {  	s10 =	sld [smem:$0x3FB7]  }
0x39: {  	_ = 	snop;
	(pc) =	sbr.ind lr, $3  }
0x3a: {  	_ = 	snop  }
0x3b: {  	_ = 	snop  }
0x3c: {  	p2 =	seq.s32 s10, $0x1;
	s10 =	sld [smem:$0x3FB6]  }
0x3d: {  	_ =	shalt  }
0x3e: {  	_ =	shalt  }
0x3f: {  	_ =	shalt  }
0x40: {  	_ =	shalt  }
0x41: {  	_ =	shalt  }
0x42: {  	_ =	shalt  }
0x43: {  	_ =	shalt  }
0x44: {  	_ =	shalt  }
0x45: {  	_ =	shalt  }
0x46: {  	_ =	shalt  }
0x47: {  	_ =	shalt  }
0x48: {  	_ =	shalt  }
0x49: {  	_ =	shalt  }
0x4a: {  	_ =	shalt  }
0x4b: {  	_ =	shalt  }
0x4c: {  	_ =	shalt  }
0x4d: {  	_ =	shalt  }
0x4e: {  	_ =	shalt  }
0x4f: {  	_ =	shalt  }
0x50: {  	_ =	shalt  }
0x51: {  	_ =	shalt  }
0x52: {  	_ =	shalt  }
0x53: {  	_ =	shalt  }
0x54: {  	_ =	shalt  }
0x55: {  	_ =	shalt  }
0x56: {  	_ =	shalt  }
0x57: {  	_ =	shalt  }
0x58: {  	_ =	shalt  }
0x59: {  	_ =	shalt  }
0x5a: {  	_ =	shalt  }
0x5b: {  	_ =	shalt  }
0x5c: {  	_ =	shalt  }
0x5d: {  	_ =	shalt  }
0x5e: {  	_ =	shalt  }
0x5f: {  	_ =	shalt  }
0x60: {  	_ =	shalt  }
0x61: {  	_ =	shalt  }
0x62: {  	_ =	shalt  }
0x63: {  	_ =	shalt  }
0x64: {  	_ =	shalt  }
0x65: {  	_ =	shalt  }
0x66: {  	_ =	shalt  }
0x67: {  	_ =	shalt  }
0x68: {  	_ =	shalt  }
0x69: {  	_ =	shalt  }
0x6a: {  	_ =	shalt  }
0x6b: {  	_ =	shalt  }
0x6c: {  	_ =	shalt  }
0x6d: {  	_ =	shalt  }
0x6e: {  	_ =	shalt  }
0x6f: {  	_ =	shalt  }
0x70: {  	_ =	shalt  }
0x71: {  	_ =	shalt  }
0x72: {  	_ =	shalt  }
0x73: {  	_ =	shalt  }
0x74: {  	_ =	shalt  }
0x75: {  	_ =	shalt  }
0x76: {  	_ =	shalt  }
0x77: {  	_ =	shalt  }
0x78: {  	_ =	shalt  }
0x79: {  	_ =	shalt  }
0x7a: {  	_ =	shalt  }
0x7b: {  	_ =	shalt  }
0x7c: {  	_ =	shalt  }
0x7d: {  	_ =	shalt  }
0x7e: {  	_ =	shalt  }
0x7f: {  	_ =	shalt  }
0x80: {  	_ =	shalt  }
0x81: {  	_ =	shalt  }
0x82: {  	_ =	shalt  }
0x83: {  	_ =	shalt  }
0x84: {  	_ =	shalt  }
0x85: {  	_ =	shalt  }
0x86: {  	_ =	shalt  }
0x87: {  	_ =	shalt  }
.Lfunc_end0:
.L_simem_size_0:
called_computation_lowered:
.L_overlay_start_0:
0x88: {  	s2 =	sld [smem:$0x3FD9]  }
0x89: {  	s3 =	sld [smem:$0x3FFE];
	_ =	sdelay $0x1  }
0x8a: {  	s1 =	srdreg.scid  }
0x8b: {  	s0 =	sand.u32 $0x1, s1  }
0x8c: {  	s17 =	sshll.u32 s0, $0xA;
	s2 =	sadd.s32 s3, s2  }
0x8d: {  	s2 =	sadd.s32 s2, s17  }
0x8e: {  	[smem:$0x3FC2] =	sst s2  }
0x8f: {  	_ = 	snop  }
0x90: {  	s18 =	sld [smem:$0x3FC7]  }
0x91: {  	s4 =	sld [smem:$0x3FD0];
	(tm) =	ssettm $0x1  }
0x92: {  	s19 =	sld [smem:$0x3FFB];
	_ =	sdelay $0x3  }
0x93: {  	_ =	strace s19  }
0x94: {  	s2 =	sld [smem:$0x3FFC];
	_ =	sdelay $0x3  }
0x95: {  	_ =	strace s2  }
0x96: {  	s2 =	sld [smem:$0x3FFD];
	_ =	sdelay $0x3  }
0x97: {  	_ =	strace s2  }
0x98: {  	_ =	strace $0x8FFFFFFF  }
0x99: {  	s20 =	sld [smem:$0x3FDB];
	_ =	sdelay $0x1  }
0x9a: {  	s5 =	simm.s32 $_scs_section_size  }
0x9b: {  	s6 =	simm.s32 $_size__tile_overlayer_lowered;
	s7 =	simm.s32 $_tile_overlayer_lowered  }
0x9c: {  	s8 =	simm.s32 $0x1BFF;
	s21 =	sshll.u32 s7, $0x1;
	s5 =	sadd.s32 s5, s20  }
0x9d: {  	s22 =	simm.s32 $0x0;
	s6 =	sshll.u32 s6, $0x1;
	s7 =	sadd.s32 s21, s5  }
0x9e: {  	[timem:s22], [sflag:s8] =	dma.local [hbm:s7], s6  }
0x9f: {  	_ =	swait.ge [sflag:s8], s6  }
0xa0: {  	s6 =	ssub.s32 $0x0, s6;
	[sflag:s8] =	ssyncset.done $0x0  }
0xa1: {  	[sflag:s8] =	ssyncadd.s32 s6;
	_ =	sdelay $0x1  }
0xa2: {  	s23 =	simm.s32 $0x1B8B  }
0xa3: {  	_ =	swait.ge [sflag:s23], $0x1  }
0xa4: {  	[sflag:s23] =	ssyncset.done $0x0  }
0xa5: {  	[sflag:s23] =	ssyncadd.s32 $0xFFFFFFFF  }
0xa6: {  	s6 =	sld [smem:$0x0]  }
0xa7: {  	s7 =	sand.u32 $0xFFFFFFFE, s1  }
0xa8: {  	p0 =	sne.s32 s1, s7  }
0xa9: {  	s7 =	sshll.u32 @p0 s7, $0xE  }
0xaa: {  	s7 =	sadd.s32 @p0 $0x11B8D, s7;
	s8 =	sshll.u32 @p0 s6, $0x11  }
0xab: {  	s7 =	sor.u32 @p0 s8, s7  }
0xac: {  	[sflag:s7] =	ssyncadd.remote.s32 @p0 $0x1;
	_ =	sdelay $0x1  }
0xad: {  	s7 =	simm.s32 @p0 $0x1B8D  }
0xae: {  	_ =	swait.eq @p0 [sflag:s7], $0x1  }
0xaf: {  	[sflag:s7] =	ssyncadd.s32 @p0 $0xFFFFFFFF  }
0xb0: {  	s8 =	sshll.u32 @!p0 s1, $0xE  }
0xb1: {  	s8 =	sor.u32 @!p0 $0x4000, s8;
	s7 =	simm.s32 @!p0 $0x1B8D  }
0xb2: {  	s6 =	sshll.u32 @!p0 s6, $0x11;
	s8 =	sadd.s32 @!p0 $0x11B8D, s8;
	_ =	swait.eq @!p0 [sflag:s7], $0x1  }
0xb3: {  	s6 =	sor.u32 @!p0 s6, s8;
	[sflag:s7] =	ssyncadd.s32 @!p0 $0xFFFFFFFF  }
0xb4: {  	s25 =	simm.s32 $0x1B8E;
	s24 =	sld [smem:$0x3FFE];
	[sflag:s6] =	ssyncadd.remote.s32 @!p0 $0x1  }
0xb5: {  	s26 =	simm.s32 $execute0_lowered;
	[smem:$0x3FD2] =	sst s25  }
0xb6: {  	s7 =	sshll.u32 s26, $0x1;
	_ =	strace $0x80000049;
	[dreg:$0x1] =	wrdreg $0xFFFFFFFF  }
0xb7: {  	s28 =	simm.s32 $_size_execute0_lowered;
	s5 =	sadd.s32 s5, s7;
	[dreg:$0x0] =	wrdreg $0x0  }
0xb8: {  	s7 =	sshll.u32 s28, $0x1;
	[dreg:$0x2] =	wrdreg s5  }
0xb9: {  	[dreg:$0x3] =	wrdreg s7  }
0xba: {  	[dreg:$0x4] =	wrdreg $0xC0  }
0xbb: {  	_ =	task [dreg:s22], $0x5FFFF  }
0xbc: {  	[dreg:$0x1] =	wrdreg $0xFFFFFFFF  }
0xbd: {  	[dreg:$0x0] =	wrdreg $0x60  }
0xbe: {  	[dreg:$0x2] =	wrdreg s18  }
0xbf: {  	[dreg:$0x3] =	wrdreg s4  }
0xc0: {  	[dreg:$0x4] =	wrdreg s24  }
0xc1: {  	[dreg:$0x5] =	wrdreg $0x9  }
0xc2: {  	_ =	task.clear_ibuf [dreg:s22], $0x6FFFF;
	_ =	strace $0x90000049  }
0xc3: {  	s29 =	simm.s32 $0x9;
	_ =	strace $0x8000004B  }
0xc4: {  	_ =	swait.ge [sflag:s29], $0x1  }
0xc5: {  	[sflag:s29] =	ssyncadd.s32 $0xFFFFFFFF  }
0xc6: {  	_ =	strace $0x9000004B  }
0xc7: {  	_ =	sfence  }
0xc8: {  	s30 =	sld [smem:$0x0];
	_ =	sdelay $0x2  }
0xc9: {  	s31 =	sshll.u32 s1, $0xD;
	s1 =	sshrl.u32 s1, $0x2  }
0xca: {  	s4 =	sand.u32 $0x4000, s31;
	s1 =	sadd.s32 s1, s30  }
0xcb: {  	s0 =	sor.u32 s4, s0;
	s1 =	sshll.u32 s1, $0x11  }
0xcc: {  	s0 =	sor.u32 s1, s0  }
0xcd: {  	s0 =	sadd.s32 $0x8F2B, s0  }
0xce: {  	[sflag:s0] =	ssyncadd.remote.s32 $0x1  }
0xcf: {  	_ =	sfence.sel $0xFFFF  }
0xd0: {  	[dreg:$0x0] =	wrdreg $0xFFFFFFFF;
	(pc) =	sbr.abs _section_cstart, $3  }
0xd1: {  	[dreg:$0x1] =	wrdreg $0xFFFFFFFF  }
0xd2: {  	_ =	task.clear_ibuf [dreg:s22], $0x2FFFF;
	_ =	strace $0x9FFFFFFF  }
0xd3: {  	(tm) =	ssettm $0x7FFFFFFF  }
tec
execute0_lowered:
.L_overlay_start_1:
0x0: {  	(tag) =	ssettag $0x1  }
0x1: {  	s2 =	rddreg [dreg:$0x0]  }
0x2: {  	s8 =	rddreg [dreg:$0x1];
	s0 =	srdreg.scid  }
0x3: {  	s11 =	rddreg [dreg:$0x2];
	s1 =	stileid.u32;
	s5 =	simm.s32 $0x1  }
0x4: {  	s6 =	simm.s32 $0x2;
	s10 =	simm.s32 $0x3;
	s13 =	simm.s32 $0x0  }
0x5: {  	s15 =	simm.s32 $0x0;
	s3 =	sshll.u32 s0, $0x9;
	s0 =	rddreg [dreg:$0x3]  }
0x6: {  	s4 =	sshll.u32 s1, $0xA;
	_ =	strace $0x8000004A;
	s3 =	sand.u32 $0x200, s3  }
0x7: {  	s14 =	simm.s32 $0x0;
	[sflag:s5] =	ssyncpa.u1 $0x0;
	s3 =	sor.u32 s4, s3  }
0x8: {  	s4 =	sadd.s32 $0x1C7C00, s11;
	[sflag:s6] =	ssyncpa.u1 $0x0;
	s7 =	ssub.s32 $0x4000, s3  }
.Ltmp0:
0x9: {  	[sflag:s10] =	ssyncpa.u1 $0x0;
	s9 =	sand.u32 $0x3E00, s7;
	(pc) =	sbr.rel .LBB2_1-.Ltmp0, $4  }
0xa: {  	s31 =	sshrl.u32 s3, $0x3;
	p0 =	sne.s32 s9, $0x0;
	s9 =	simm.s32 $0x1  }
0xb: {  	s10 =	sadd.s32 $0x1CFC00, s11;
	s7 =	sshrl.u32 s7, $0xE;
	s9 =	simm.s32 @!p0 $0x0  }
0xc: {  	s8 =	sadd.s32 s8, s31;
	p0 =	por $0x0, $0x0;
	s7 =	sadd.s32 s9, s7  }
0xd: {  	vm0 =	vmmov $0xffff;
	s9 =	sadd.s32 $0x1CBC00, s11;
	s11 =	sadd.s32 $0x1D3C00, s11;
	s12 =	sadd.s32 $0x1, s7  }
.LBB2_4:
0xe: {  	_ =	sdelay $0x3  }
0xf: {  	[tilespmem:s21], [sflag:$0x1] =	stream.indirect_vreg.gather [hbm4b:s2+s13], $0x1, v0, vm0, $0x4038;
	[tilespmem:$0x8400] =	vst v63  }
0x10: {  	s18 =	sshll.u32 s15, $0x3  }
0x11: {  	s24 =	sand.u32 $0x78, s15;
	s18 =	sand.u32 $0x7FFFFC00, s18  }
0x12: {  	_ =	swait.ge [sflag:s5], $0x4000;
	s15 =	sor.u32 s24, s18  }
0x13: {  	[sflag:s5] =	ssyncset.done $0x0;
	s15 =	sshrl.u32 s15, $0x3  }
0x14: {  	[sflag:s5] =	ssyncadd.s32 $0xFFFFC000;
	s25 =	sadd.s32 s4, s15  }
0x15: {  	[hbm:s25] =	stream.linear.scatter [tilespmem:s17], [sflag:$0x3], $0x1000, $0x38;
	[tilespmem:$0x8400] =	vst v63  }
0x16: {  	s26 =	sadd.s32 $0x1400, s16;
	s28 =	sadd.s32 s15, s9  }
0x17: {  	[hbm:s28] =	stream.linear.scatter [tilespmem:s26], [sflag:$0x3], $0x1000, $0x38;
	[tilespmem:$0x8400] =	vst v63  }
0x18: {  	s29 =	sadd.s32 $0x2400, s16;
	s30 =	sadd.s32 s15, s10  }
0x19: {  	[hbm:s30] =	stream.linear.scatter [tilespmem:s29], [sflag:$0x3], $0x1000, $0x38;
	[tilespmem:$0x8400] =	vst v63  }
0x1a: {  	s31 =	sadd.s32 $0x3400, s16;
	s15 =	sadd.s32 s15, s11  }
0x1b: {  	[hbm:s15] =	stream.linear.scatter [tilespmem:s31], [sflag:$0x3], $0x1000, $0x38;
	[tilespmem:$0x8400] =	vst v63  }
.LBB2_5:
0x1c: {  	p2 =	sne.s32 s14, s12  }
.Ltmp1:
0x1d: {  	p1 =	slt.u32 s14, $0x2;
	(pc) =	sbr.rel @!p2 .LBB2_6-.Ltmp1, $4  }
0x1e: {  	s15 =	simm.s32 @!p1 $0x3  }
0x1f: {  	_ =	swait.ge @!p1 [sflag:s15], $0x4000  }
0x20: {  	s16 =	sadd.s32 $0x1, s14;
	p0 =	por !p0, !p0;
	[sflag:s15] =	ssyncset.done @!p1 $0x0  }
0x21: {  	s14 =	smov.u32 s16;
	[sflag:s15] =	ssyncadd.s32 @!p1 $0xFFFFC000;
	s15 =	smov.u32 s3  }
.LBB2_1:
0x22: {  	p1 =	sge.u32 s14, s7  }
0x23: {  	s16 =	sxor.u32 @!p1 $0xFFFFFFFF, s14  }
0x24: {  	s16 =	sshll.u32 @!p1 s16, $0x9  }
0x25: {  	s31 =	sadd.s32 $0xFFFFFFFF, s14;
	s17 =	simm.s32 @!p1 $0x0;
	s16 =	sand.u32 @!p1 $0x200, s16  }
0x26: {  	[tilespmem:s16], [sflag:$0x2] =	stream.linear.gather @!p1 [hbm4b:s8+s17], $0x200, $0x38;
	[tilespmem:$0x8400] =	vst v63  }
0x27: {  	p1 =	sge.u32 s31, s7  }
.Ltmp2:
0x28: {  	_ = 	snop;
	(pc) =	sbr.rel @p1 .LBB2_5-.Ltmp2, $1  }
0x29: {  	_ =	sdelay $0x3  }
0x2a: {  	s16 =	simm.s32 $0x1;
	_ =	swait.ge [sflag:s6], $0x200  }
0x2b: {  	s16 =	simm.s32 @!p0 $0x0;
	[sflag:s6] =	ssyncset.done $0x0  }
0x2c: {  	s19 =	sshll.u32 s16, $0x9;
	[sflag:s6] =	ssyncadd.s32 $0xFFFFFE00  }
0x2d: {  	v0 =	vld.msk [tilespmem:s19+$0x0 ss:$0x1], $0xffff;
	_ =	sdelay $0x4  }
0x2e: {  	vm1 =	vgt.s32 v0, $0x0  }
0x2f: {  	v0 =	vnsel vm1, $0x0, v0  }
0x30: {  	v0 =	vmin.u32 v0, $0xF423F  }
0x31: {  	v1 =	vshll.u32 v0, $0x3  }
0x32: {  	v0 =	vand.u32 $0x7F, v0;
	v1 =	vand.u32 $0x7FFC00, v1  }
0x33: {  	s22 =	sshll.u32 s14, $0xE;
	v0 =	vor.u32 v0, v1  }
0x34: {  	s18 =	simm.s32 $0x0;
	s16 =	sand.u32 $0x4000, s22  }
0x35: {  	s20 =	sand.u32 $0xC00, s18;
	s17 =	sor.u32 $0x400, s16  }
0x36: {  	s21 =	sand.u32 $0x70, s18;
	(ifvalue) =	ssetifvalue $0x7FFFFFFF;
	s20 =	sadd.s32 s20, s17;
	v1 =	vor.u32 $0x80, v0  }
0x37: {  	(ifvalue) =	ssetifvalue $0x7FFFFFFF;
	s20 =	sadd.s32 s21, s20  }
0x38: {  	[tilespmem:s20], [sflag:$0x1] =	stream.indirect_vreg.gather [hbm4b:s2+s13], $0x1, v0, vm0, $0x4038;
	[tilespmem:$0x8400] =	vst v63  }
0x39: {  	v2 =	vor.u32 $0x100, v0;
	(ifvalue) =	ssetifvalue $0x7FFFFFFF  }
0x3a: {  	s21 =	sadd.s32 $0x80, s20;
	(ifvalue) =	ssetifvalue $0x7FFFFFFF  }
0x3b: {  	[tilespmem:s21], [sflag:$0x1] =	stream.indirect_vreg.gather [hbm4b:s2+s13], $0x1, v1, vm0, $0x4038;
	[tilespmem:$0x8400] =	vst v63  }
0x3c: {  	v1 =	vor.u32 $0x180, v0;
	(ifvalue) =	ssetifvalue $0x7FFFFFFF  }
0x3d: {  	s23 =	sadd.s32 $0x100, s20;
	(ifvalue) =	ssetifvalue $0x7FFFFFFF  }
0x3e: {  	[tilespmem:s23], [sflag:$0x1] =	stream.indirect_vreg.gather [hbm4b:s2+s13], $0x1, v2, vm0, $0x4038;
	[tilespmem:$0x8400] =	vst v63  }
0x3f: {  	v2 =	vor.u32 $0x200, v0;
	(ifvalue) =	ssetifvalue $0x7FFFFFFF  }
0x40: {  	s24 =	sadd.s32 $0x180, s20;
	(ifvalue) =	ssetifvalue $0x7FFFFFFF  }
0x41: {  	[tilespmem:s24], [sflag:$0x1] =	stream.indirect_vreg.gather [hbm4b:s2+s13], $0x1, v1, vm0, $0x4038;
	[tilespmem:$0x8400] =	vst v63  }
0x42: {  	(ifvalue) =	ssetifvalue $0x7FFFFFFF;
	v1 =	vor.u32 $0x280, v0  }
0x43: {  	s25 =	sadd.s32 $0x200, s20;
	(ifvalue) =	ssetifvalue $0x7FFFFFFF  }
0x44: {  	[tilespmem:s25], [sflag:$0x1] =	stream.indirect_vreg.gather [hbm4b:s2+s13], $0x1, v2, vm0, $0x4038;
	[tilespmem:$0x8400] =	vst v63  }
0x45: {  	(ifvalue) =	ssetifvalue $0x7FFFFFFF;
	v2 =	vor.u32 $0x300, v0  }
0x46: {  	s26 =	sadd.s32 $0x280, s20;
	(ifvalue) =	ssetifvalue $0x7FFFFFFF  }
0x47: {  	[tilespmem:s26], [sflag:$0x1] =	stream.indirect_vreg.gather [hbm4b:s2+s13], $0x1, v1, vm0, $0x4038;
	[tilespmem:$0x8400] =	vst v63  }
0x48: {  	(ifvalue) =	ssetifvalue $0x7FFFFFFF;
	v1 =	vor.u32 $0x380, v0  }
0x49: {  	s18 =	sor.u32 s18, s18;
	s28 =	sadd.s32 $0x300, s20;
	(ifvalue) =	ssetifvalue $0x7FFFFFFF  }
0x4a: {  	[tilespmem:s28], [sflag:$0x1] =	stream.indirect_vreg.gather [hbm4b:s2+s13], $0x1, v2, vm0, $0x4038;
	[tilespmem:$0x8400] =	vst v63  }
0x4b: {  	s18 =	sor.u32 $0x380, s18;
	(ifvalue) =	ssetifvalue $0x7FFFFFFF;
	v2 =	vadd.s32 $0x7A1400, v0  }
0x4c: {  	s18 =	sadd.s32 s18, s17;
	(ifvalue) =	ssetifvalue $0x7FFFFFFF  }
0x4d: {  	[tilespmem:s18], [sflag:$0x1] =	stream.indirect_vreg.gather [hbm4b:s2+s13], $0x1, v1, vm0, $0x4038;
	[tilespmem:$0x8400] =	vst v63  }
0x4e: {  	(ifvalue) =	ssetifvalue $0x7FFFFFFF;
	v1 =	vadd.s32 $0x7A1480, v0  }
0x4f: {  	s29 =	sadd.s32 $0x1000, s20;
	(ifvalue) =	ssetifvalue $0x7FFFFFFF  }
0x50: {  	[tilespmem:s29], [sflag:$0x1] =	stream.indirect_vreg.gather [hbm4b:s2+s13], $0x1, v2, vm0, $0x4038;
	[tilespmem:$0x8400] =	vst v63  }
0x51: {  	(ifvalue) =	ssetifvalue $0x7FFFFFFF;
	v2 =	vadd.s32 $0x7A1500, v0  }
0x52: {  	s30 =	sadd.s32 $0x1080, s20;
	(ifvalue) =	ssetifvalue $0x7FFFFFFF  }
0x53: {  	[tilespmem:s30], [sflag:$0x1] =	stream.indirect_vreg.gather [hbm4b:s2+s13], $0x1, v1, vm0, $0x4038;
	[tilespmem:$0x8400] =	vst v63  }
0x54: {  	(ifvalue) =	ssetifvalue $0x7FFFFFFF;
	v1 =	vadd.s32 $0x7A1580, v0  }
0x55: {  	s31 =	sadd.s32 $0x1100, s20;
	(ifvalue) =	ssetifvalue $0x7FFFFFFF  }
0x56: {  	[tilespmem:s31], [sflag:$0x1] =	stream.indirect_vreg.gather [hbm4b:s2+s13], $0x1, v2, vm0, $0x4038;
	[tilespmem:$0x8400] =	vst v63  }
0x57: {  	(ifvalue) =	ssetifvalue $0x7FFFFFFF;
	v2 =	vadd.s32 $0x7A1600, v0  }
0x58: {  	s21 =	sadd.s32 $0x1180, s20;
	(ifvalue) =	ssetifvalue $0x7FFFFFFF  }
0x59: {  	[tilespmem:s21], [sflag:$0x1] =	stream.indirect_vreg.gather [hbm4b:s2+s13], $0x1, v1, vm0, $0x4038;
	[tilespmem:$0x8400] =	vst v63  }
0x5a: {  	(ifvalue) =	ssetifvalue $0x7FFFFFFF;
	v1 =	vadd.s32 $0x7A1680, v0  }
0x5b: {  	s22 =	sadd.s32 $0x1200, s20;
	(ifvalue) =	ssetifvalue $0x7FFFFFFF  }
0x5c: {  	[tilespmem:s22], [sflag:$0x1] =	stream.indirect_vreg.gather [hbm4b:s2+s13], $0x1, v2, vm0, $0x4038;
	[tilespmem:$0x8400] =	vst v63  }
0x5d: {  	(ifvalue) =	ssetifvalue $0x7FFFFFFF;
	v2 =	vadd.s32 $0x7A1700, v0  }
0x5e: {  	s23 =	sadd.s32 $0x1280, s20;
	(ifvalue) =	ssetifvalue $0x7FFFFFFF  }
0x5f: {  	[tilespmem:s23], [sflag:$0x1] =	stream.indirect_vreg.gather [hbm4b:s2+s13], $0x1, v1, vm0, $0x4038;
	[tilespmem:$0x8400] =	vst v63  }
0x60: {  	(ifvalue) =	ssetifvalue $0x7FFFFFFF;
	v1 =	vadd.s32 $0x7A1780, v0  }
0x61: {  	s24 =	sadd.s32 $0x1300, s20;
	(ifvalue) =	ssetifvalue $0x7FFFFFFF  }
0x62: {  	[tilespmem:s24], [sflag:$0x1] =	stream.indirect_vreg.gather [hbm4b:s2+s13], $0x1, v2, vm0, $0x4038;
	[tilespmem:$0x8400] =	vst v63  }
0x63: {  	(ifvalue) =	ssetifvalue $0x7FFFFFFF;
	v2 =	vadd.s32 $0xF42800, v0  }
0x64: {  	s25 =	sadd.s32 $0x1380, s20;
	(ifvalue) =	ssetifvalue $0x7FFFFFFF  }
0x65: {  	[tilespmem:s25], [sflag:$0x1] =	stream.indirect_vreg.gather [hbm4b:s2+s13], $0x1, v1, vm0, $0x4038;
	[tilespmem:$0x8400] =	vst v63  }
0x66: {  	(ifvalue) =	ssetifvalue $0x7FFFFFFF;
	v1 =	vadd.s32 $0xF42880, v0  }
0x67: {  	s26 =	sadd.s32 $0x2000, s20;
	(ifvalue) =	ssetifvalue $0x7FFFFFFF  }
0x68: {  	[tilespmem:s26], [sflag:$0x1] =	stream.indirect_vreg.gather [hbm4b:s2+s13], $0x1, v2, vm0, $0x4038;
	[tilespmem:$0x8400] =	vst v63  }
0x69: {  	(ifvalue) =	ssetifvalue $0x7FFFFFFF;
	v2 =	vadd.s32 $0xF42900, v0  }
0x6a: {  	s28 =	sadd.s32 $0x2080, s20;
	(ifvalue) =	ssetifvalue $0x7FFFFFFF  }
0x6b: {  	[tilespmem:s28], [sflag:$0x1] =	stream.indirect_vreg.gather [hbm4b:s2+s13], $0x1, v1, vm0, $0x4038;
	[tilespmem:$0x8400] =	vst v63  }
0x6c: {  	(ifvalue) =	ssetifvalue $0x7FFFFFFF;
	v1 =	vadd.s32 $0xF42980, v0  }
0x6d: {  	s29 =	sadd.s32 $0x2100, s20;
	(ifvalue) =	ssetifvalue $0x7FFFFFFF  }
0x6e: {  	[tilespmem:s29], [sflag:$0x1] =	stream.indirect_vreg.gather [hbm4b:s2+s13], $0x1, v2, vm0, $0x4038;
	[tilespmem:$0x8400] =	vst v63  }
0x6f: {  	(ifvalue) =	ssetifvalue $0x7FFFFFFF;
	v2 =	vadd.s32 $0xF42A00, v0  }
0x70: {  	s30 =	sadd.s32 $0x2180, s20;
	(ifvalue) =	ssetifvalue $0x7FFFFFFF  }
0x71: {  	[tilespmem:s30], [sflag:$0x1] =	stream.indirect_vreg.gather [hbm4b:s2+s13], $0x1, v1, vm0, $0x4038;
	[tilespmem:$0x8400] =	vst v63  }
0x72: {  	(ifvalue) =	ssetifvalue $0x7FFFFFFF;
	v1 =	vadd.s32 $0xF42A80, v0  }
0x73: {  	s31 =	sadd.s32 $0x2200, s20;
	(ifvalue) =	ssetifvalue $0x7FFFFFFF  }
0x74: {  	[tilespmem:s31], [sflag:$0x1] =	stream.indirect_vreg.gather [hbm4b:s2+s13], $0x1, v2, vm0, $0x4038;
	[tilespmem:$0x8400] =	vst v63  }
0x75: {  	(ifvalue) =	ssetifvalue $0x7FFFFFFF;
	v2 =	vadd.s32 $0xF42B00, v0  }
0x76: {  	s21 =	sadd.s32 $0x2280, s20;
	(ifvalue) =	ssetifvalue $0x7FFFFFFF  }
0x77: {  	[tilespmem:s21], [sflag:$0x1] =	stream.indirect_vreg.gather [hbm4b:s2+s13], $0x1, v1, vm0, $0x4038;
	[tilespmem:$0x8400] =	vst v63  }
0x78: {  	(ifvalue) =	ssetifvalue $0x7FFFFFFF;
	v1 =	vadd.s32 $0xF42B80, v0  }
0x79: {  	s22 =	sadd.s32 $0x2300, s20;
	(ifvalue) =	ssetifvalue $0x7FFFFFFF  }
0x7a: {  	[tilespmem:s22], [sflag:$0x1] =	stream.indirect_vreg.gather [hbm4b:s2+s13], $0x1, v2, vm0, $0x4038;
	[tilespmem:$0x8400] =	vst v63  }
0x7b: {  	(ifvalue) =	ssetifvalue $0x7FFFFFFF;
	v2 =	vadd.s32 $0x16E3C00, v0  }
0x7c: {  	s23 =	sadd.s32 $0x2380, s20;
	(ifvalue) =	ssetifvalue $0x7FFFFFFF  }
0x7d: {  	[tilespmem:s23], [sflag:$0x1] =	stream.indirect_vreg.gather [hbm4b:s2+s13], $0x1, v1, vm0, $0x4038;
	[tilespmem:$0x8400] =	vst v63  }
0x7e: {  	(ifvalue) =	ssetifvalue $0x7FFFFFFF;
	v1 =	vadd.s32 $0x16E3C80, v0  }
0x7f: {  	s24 =	sadd.s32 $0x3000, s20;
	(ifvalue) =	ssetifvalue $0x7FFFFFFF  }
0x80: {  	[tilespmem:s24], [sflag:$0x1] =	stream.indirect_vreg.gather [hbm4b:s2+s13], $0x1, v2, vm0, $0x4038;
	[tilespmem:$0x8400] =	vst v63  }
0x81: {  	(ifvalue) =	ssetifvalue $0x7FFFFFFF;
	v2 =	vadd.s32 $0x16E3D00, v0  }
0x82: {  	s25 =	sadd.s32 $0x3080, s20;
	(ifvalue) =	ssetifvalue $0x7FFFFFFF  }
0x83: {  	[tilespmem:s25], [sflag:$0x1] =	stream.indirect_vreg.gather [hbm4b:s2+s13], $0x1, v1, vm0, $0x4038;
	[tilespmem:$0x8400] =	vst v63  }
0x84: {  	(ifvalue) =	ssetifvalue $0x7FFFFFFF;
	v1 =	vadd.s32 $0x16E3D80, v0  }
0x85: {  	s26 =	sadd.s32 $0x3100, s20;
	(ifvalue) =	ssetifvalue $0x7FFFFFFF  }
0x86: {  	[tilespmem:s26], [sflag:$0x1] =	stream.indirect_vreg.gather [hbm4b:s2+s13], $0x1, v2, vm0, $0x4038;
	[tilespmem:$0x8400] =	vst v63  }
0x87: {  	(ifvalue) =	ssetifvalue $0x7FFFFFFF;
	v2 =	vadd.s32 $0x16E3E00, v0  }
0x88: {  	s28 =	sadd.s32 $0x3180, s20;
	(ifvalue) =	ssetifvalue $0x7FFFFFFF  }
0x89: {  	[tilespmem:s28], [sflag:$0x1] =	stream.indirect_vreg.gather [hbm4b:s2+s13], $0x1, v1, vm0, $0x4038;
	[tilespmem:$0x8400] =	vst v63  }
0x8a: {  	(ifvalue) =	ssetifvalue $0x7FFFFFFF;
	v1 =	vadd.s32 $0x16E3E80, v0  }
0x8b: {  	s29 =	sadd.s32 $0x3200, s20;
	(ifvalue) =	ssetifvalue $0x7FFFFFFF  }
0x8c: {  	[tilespmem:s29], [sflag:$0x1] =	stream.indirect_vreg.gather [hbm4b:s2+s13], $0x1, v2, vm0, $0x4038;
	[tilespmem:$0x8400] =	vst v63  }
0x8d: {  	(ifvalue) =	ssetifvalue $0x7FFFFFFF;
	v2 =	vadd.s32 $0x16E3F00, v0  }
0x8e: {  	s30 =	sadd.s32 $0x3280, s20;
	(ifvalue) =	ssetifvalue $0x7FFFFFFF  }
0x8f: {  	[tilespmem:s30], [sflag:$0x1] =	stream.indirect_vreg.gather [hbm4b:s2+s13], $0x1, v1, vm0, $0x4038;
	[tilespmem:$0x8400] =	vst v63  }
0x90: {  	v0 =	vadd.s32 $0x16E3F80, v0;
	(ifvalue) =	ssetifvalue $0x7FFFFFFF  }
0x91: {  	s31 =	sadd.s32 $0x3300, s20;
	(ifvalue) =	ssetifvalue $0x7FFFFFFF  }
0x92: {  	[tilespmem:s31], [sflag:$0x1] =	stream.indirect_vreg.gather [hbm4b:s2+s13], $0x1, v2, vm0, $0x4038;
	[tilespmem:$0x8400] =	vst v63  }
0x93: {  	s19 =	sadd.s32 $0x10, s19;
	s18 =	simm.s32 $0x10;
	(ifvalue) =	ssetifvalue $0x7FFFFFFF  }
0x94: {  	s21 =	sadd.s32 $0x3380, s20;
	s20 =	simm.s32 $0x80;
	(ifvalue) =	ssetifvalue $0x7FFFFFFF  }
.LBB2_3:
0x95: {  	[tilespmem:s21], [sflag:$0x1] =	stream.indirect_vreg.gather [hbm4b:s2+s13], $0x1, v0, vm0, $0x4038;
	[tilespmem:$0x8400] =	vst v63  }
0x96: {  	p1 =	sne.s32 s18, $0x1F0;
	s22 =	smov.u32 s18;
	s18 =	sadd.s32 $0x10, s18;
	v0 =	vld.msk [tilespmem:s19+$0x0 ss:$0x1], $0xffff  }
0x97: {  	(ifvalue) =	ssetifvalue $0x7FFFFFFF;
	_ =	sdelay $0x4  }
0x98: {  	vm1 =	vgt.s32 v0, $0x0  }
0x99: {  	v0 =	vnsel vm1, $0x0, v0  }
0x9a: {  	v0 =	vmin.u32 v0, $0xF423F  }
0x9b: {  	v1 =	vshll.u32 v0, $0x3  }
0x9c: {  	v0 =	vand.u32 $0x7F, v0;
	v1 =	vand.u32 $0x7FFC00, v1  }
0x9d: {  	v0 =	vor.u32 v0, v1;
	_ =	sdelay $0x1  }
0x9e: {  	s21 =	sand.u32 $0xC00, s20  }
0x9f: {  	s23 =	sand.u32 $0x70, s22;
	s21 =	sadd.s32 s21, s17;
	v1 =	vor.u32 $0x80, v0  }
0xa0: {  	s21 =	sadd.s32 s23, s21;
	(ifvalue) =	ssetifvalue $0x7FFFFFFF  }
0xa1: {  	[tilespmem:s21], [sflag:$0x1] =	stream.indirect_vreg.gather [hbm4b:s2+s13], $0x1, v0, vm0, $0x4038;
	[tilespmem:$0x8400] =	vst v63  }
0xa2: {  	v2 =	vor.u32 $0x100, v0;
	(ifvalue) =	ssetifvalue $0x7FFFFFFF  }
0xa3: {  	s23 =	sadd.s32 $0x80, s21;
	(ifvalue) =	ssetifvalue $0x7FFFFFFF  }
0xa4: {  	[tilespmem:s23], [sflag:$0x1] =	stream.indirect_vreg.gather [hbm4b:s2+s13], $0x1, v1, vm0, $0x4038;
	[tilespmem:$0x8400] =	vst v63  }
0xa5: {  	v1 =	vor.u32 $0x180, v0;
	(ifvalue) =	ssetifvalue $0x7FFFFFFF  }
0xa6: {  	s23 =	sadd.s32 $0x100, s21;
	(ifvalue) =	ssetifvalue $0x7FFFFFFF  }
0xa7: {  	[tilespmem:s23], [sflag:$0x1] =	stream.indirect_vreg.gather [hbm4b:s2+s13], $0x1, v2, vm0, $0x4038;
	[tilespmem:$0x8400] =	vst v63  }
0xa8: {  	v2 =	vor.u32 $0x200, v0;
	(ifvalue) =	ssetifvalue $0x7FFFFFFF  }
0xa9: {  	s23 =	sadd.s32 $0x180, s21;
	(ifvalue) =	ssetifvalue $0x7FFFFFFF  }
0xaa: {  	[tilespmem:s23], [sflag:$0x1] =	stream.indirect_vreg.gather [hbm4b:s2+s13], $0x1, v1, vm0, $0x4038;
	[tilespmem:$0x8400] =	vst v63  }
0xab: {  	v1 =	vor.u32 $0x280, v0;
	(ifvalue) =	ssetifvalue $0x7FFFFFFF  }
0xac: {  	s23 =	sadd.s32 $0x200, s21;
	(ifvalue) =	ssetifvalue $0x7FFFFFFF  }
0xad: {  	[tilespmem:s23], [sflag:$0x1] =	stream.indirect_vreg.gather [hbm4b:s2+s13], $0x1, v2, vm0, $0x4038;
	[tilespmem:$0x8400] =	vst v63  }
0xae: {  	v2 =	vor.u32 $0x300, v0;
	(ifvalue) =	ssetifvalue $0x7FFFFFFF  }
0xaf: {  	s23 =	sadd.s32 $0x280, s21;
	(ifvalue) =	ssetifvalue $0x7FFFFFFF  }
0xb0: {  	[tilespmem:s23], [sflag:$0x1] =	stream.indirect_vreg.gather [hbm4b:s2+s13], $0x1, v1, vm0, $0x4038;
	[tilespmem:$0x8400] =	vst v63  }
0xb1: {  	v1 =	vor.u32 $0x380, v0;
	(ifvalue) =	ssetifvalue $0x7FFFFFFF  }
0xb2: {  	s22 =	sor.u32 s20, s22;
	s23 =	sadd.s32 $0x300, s21;
	(ifvalue) =	ssetifvalue $0x7FFFFFFF  }
0xb3: {  	[tilespmem:s23], [sflag:$0x1] =	stream.indirect_vreg.gather [hbm4b:s2+s13], $0x1, v2, vm0, $0x4038;
	[tilespmem:$0x8400] =	vst v63  }
0xb4: {  	s22 =	sor.u32 $0x380, s22;
	v2 =	vadd.s32 $0x7A1400, v0;
	(ifvalue) =	ssetifvalue $0x7FFFFFFF  }
0xb5: {  	s22 =	sadd.s32 s22, s17;
	(ifvalue) =	ssetifvalue $0x7FFFFFFF  }
0xb6: {  	[tilespmem:s22], [sflag:$0x1] =	stream.indirect_vreg.gather [hbm4b:s2+s13], $0x1, v1, vm0, $0x4038;
	[tilespmem:$0x8400] =	vst v63  }
0xb7: {  	v1 =	vadd.s32 $0x7A1480, v0;
	(ifvalue) =	ssetifvalue $0x7FFFFFFF  }
0xb8: {  	s22 =	sadd.s32 $0x1000, s21;
	(ifvalue) =	ssetifvalue $0x7FFFFFFF  }
0xb9: {  	[tilespmem:s22], [sflag:$0x1] =	stream.indirect_vreg.gather [hbm4b:s2+s13], $0x1, v2, vm0, $0x4038;
	[tilespmem:$0x8400] =	vst v63  }
0xba: {  	v2 =	vadd.s32 $0x7A1500, v0;
	(ifvalue) =	ssetifvalue $0x7FFFFFFF  }
0xbb: {  	s22 =	sadd.s32 $0x1080, s21;
	(ifvalue) =	ssetifvalue $0x7FFFFFFF  }
0xbc: {  	[tilespmem:s22], [sflag:$0x1] =	stream.indirect_vreg.gather [hbm4b:s2+s13], $0x1, v1, vm0, $0x4038;
	[tilespmem:$0x8400] =	vst v63  }
0xbd: {  	v1 =	vadd.s32 $0x7A1580, v0;
	(ifvalue) =	ssetifvalue $0x7FFFFFFF  }
0xbe: {  	s22 =	sadd.s32 $0x1100, s21;
	(ifvalue) =	ssetifvalue $0x7FFFFFFF  }
0xbf: {  	[tilespmem:s22], [sflag:$0x1] =	stream.indirect_vreg.gather [hbm4b:s2+s13], $0x1, v2, vm0, $0x4038;
	[tilespmem:$0x8400] =	vst v63  }
0xc0: {  	v2 =	vadd.s32 $0x7A1600, v0;
	(ifvalue) =	ssetifvalue $0x7FFFFFFF  }
0xc1: {  	s22 =	sadd.s32 $0x1180, s21;
	(ifvalue) =	ssetifvalue $0x7FFFFFFF  }
0xc2: {  	[tilespmem:s22], [sflag:$0x1] =	stream.indirect_vreg.gather [hbm4b:s2+s13], $0x1, v1, vm0, $0x4038;
	[tilespmem:$0x8400] =	vst v63  }
0xc3: {  	v1 =	vadd.s32 $0x7A1680, v0;
	(ifvalue) =	ssetifvalue $0x7FFFFFFF  }
0xc4: {  	s22 =	sadd.s32 $0x1200, s21;
	(ifvalue) =	ssetifvalue $0x7FFFFFFF  }
0xc5: {  	[tilespmem:s22], [sflag:$0x1] =	stream.indirect_vreg.gather [hbm4b:s2+s13], $0x1, v2, vm0, $0x4038;
	[tilespmem:$0x8400] =	vst v63  }
0xc6: {  	v2 =	vadd.s32 $0x7A1700, v0;
	(ifvalue) =	ssetifvalue $0x7FFFFFFF  }
0xc7: {  	s22 =	sadd.s32 $0x1280, s21;
	(ifvalue) =	ssetifvalue $0x7FFFFFFF  }
0xc8: {  	[tilespmem:s22], [sflag:$0x1] =	stream.indirect_vreg.gather [hbm4b:s2+s13], $0x1, v1, vm0, $0x4038;
	[tilespmem:$0x8400] =	vst v63  }
0xc9: {  	v1 =	vadd.s32 $0x7A1780, v0;
	(ifvalue) =	ssetifvalue $0x7FFFFFFF  }
0xca: {  	s22 =	sadd.s32 $0x1300, s21;
	(ifvalue) =	ssetifvalue $0x7FFFFFFF  }
0xcb: {  	[tilespmem:s22], [sflag:$0x1] =	stream.indirect_vreg.gather [hbm4b:s2+s13], $0x1, v2, vm0, $0x4038;
	[tilespmem:$0x8400] =	vst v63  }
0xcc: {  	v2 =	vadd.s32 $0xF42800, v0;
	(ifvalue) =	ssetifvalue $0x7FFFFFFF  }
0xcd: {  	s22 =	sadd.s32 $0x1380, s21;
	(ifvalue) =	ssetifvalue $0x7FFFFFFF  }
0xce: {  	[tilespmem:s22], [sflag:$0x1] =	stream.indirect_vreg.gather [hbm4b:s2+s13], $0x1, v1, vm0, $0x4038;
	[tilespmem:$0x8400] =	vst v63  }
0xcf: {  	v1 =	vadd.s32 $0xF42880, v0;
	(ifvalue) =	ssetifvalue $0x7FFFFFFF  }
0xd0: {  	s22 =	sadd.s32 $0x2000, s21;
	(ifvalue) =	ssetifvalue $0x7FFFFFFF  }
0xd1: {  	[tilespmem:s22], [sflag:$0x1] =	stream.indirect_vreg.gather [hbm4b:s2+s13], $0x1, v2, vm0, $0x4038;
	[tilespmem:$0x8400] =	vst v63  }
0xd2: {  	v2 =	vadd.s32 $0xF42900, v0;
	(ifvalue) =	ssetifvalue $0x7FFFFFFF  }
0xd3: {  	s22 =	sadd.s32 $0x2080, s21;
	(ifvalue) =	ssetifvalue $0x7FFFFFFF  }
0xd4: {  	[tilespmem:s22], [sflag:$0x1] =	stream.indirect_vreg.gather [hbm4b:s2+s13], $0x1, v1, vm0, $0x4038;
	[tilespmem:$0x8400] =	vst v63  }
0xd5: {  	v1 =	vadd.s32 $0xF42980, v0;
	(ifvalue) =	ssetifvalue $0x7FFFFFFF  }
0xd6: {  	s22 =	sadd.s32 $0x2100, s21;
	(ifvalue) =	ssetifvalue $0x7FFFFFFF  }
0xd7: {  	[tilespmem:s22], [sflag:$0x1] =	stream.indirect_vreg.gather [hbm4b:s2+s13], $0x1, v2, vm0, $0x4038;
	[tilespmem:$0x8400] =	vst v63  }
0xd8: {  	v2 =	vadd.s32 $0xF42A00, v0;
	(ifvalue) =	ssetifvalue $0x7FFFFFFF  }
0xd9: {  	s22 =	sadd.s32 $0x2180, s21;
	(ifvalue) =	ssetifvalue $0x7FFFFFFF  }
0xda: {  	[tilespmem:s22], [sflag:$0x1] =	stream.indirect_vreg.gather [hbm4b:s2+s13], $0x1, v1, vm0, $0x4038;
	[tilespmem:$0x8400] =	vst v63  }
0xdb: {  	v1 =	vadd.s32 $0xF42A80, v0;
	(ifvalue) =	ssetifvalue $0x7FFFFFFF  }
0xdc: {  	s22 =	sadd.s32 $0x2200, s21;
	(ifvalue) =	ssetifvalue $0x7FFFFFFF  }
0xdd: {  	[tilespmem:s22], [sflag:$0x1] =	stream.indirect_vreg.gather [hbm4b:s2+s13], $0x1, v2, vm0, $0x4038;
	[tilespmem:$0x8400] =	vst v63  }
0xde: {  	v2 =	vadd.s32 $0xF42B00, v0;
	(ifvalue) =	ssetifvalue $0x7FFFFFFF  }
0xdf: {  	s22 =	sadd.s32 $0x2280, s21;
	(ifvalue) =	ssetifvalue $0x7FFFFFFF  }
0xe0: {  	[tilespmem:s22], [sflag:$0x1] =	stream.indirect_vreg.gather [hbm4b:s2+s13], $0x1, v1, vm0, $0x4038;
	[tilespmem:$0x8400] =	vst v63  }
0xe1: {  	v1 =	vadd.s32 $0xF42B80, v0;
	(ifvalue) =	ssetifvalue $0x7FFFFFFF  }
0xe2: {  	s22 =	sadd.s32 $0x2300, s21;
	(ifvalue) =	ssetifvalue $0x7FFFFFFF  }
0xe3: {  	[tilespmem:s22], [sflag:$0x1] =	stream.indirect_vreg.gather [hbm4b:s2+s13], $0x1, v2, vm0, $0x4038;
	[tilespmem:$0x8400] =	vst v63  }
0xe4: {  	v2 =	vadd.s32 $0x16E3C00, v0;
	(ifvalue) =	ssetifvalue $0x7FFFFFFF  }
0xe5: {  	s22 =	sadd.s32 $0x2380, s21;
	(ifvalue) =	ssetifvalue $0x7FFFFFFF  }
0xe6: {  	[tilespmem:s22], [sflag:$0x1] =	stream.indirect_vreg.gather [hbm4b:s2+s13], $0x1, v1, vm0, $0x4038;
	[tilespmem:$0x8400] =	vst v63  }
0xe7: {  	v1 =	vadd.s32 $0x16E3C80, v0;
	(ifvalue) =	ssetifvalue $0x7FFFFFFF  }
0xe8: {  	s22 =	sadd.s32 $0x3000, s21;
	(ifvalue) =	ssetifvalue $0x7FFFFFFF  }
0xe9: {  	[tilespmem:s22], [sflag:$0x1] =	stream.indirect_vreg.gather [hbm4b:s2+s13], $0x1, v2, vm0, $0x4038;
	[tilespmem:$0x8400] =	vst v63  }
0xea: {  	v2 =	vadd.s32 $0x16E3D00, v0;
	(ifvalue) =	ssetifvalue $0x7FFFFFFF  }
0xeb: {  	s22 =	sadd.s32 $0x3080, s21;
	(ifvalue) =	ssetifvalue $0x7FFFFFFF  }
0xec: {  	[tilespmem:s22], [sflag:$0x1] =	stream.indirect_vreg.gather [hbm4b:s2+s13], $0x1, v1, vm0, $0x4038;
	[tilespmem:$0x8400] =	vst v63  }
0xed: {  	v1 =	vadd.s32 $0x16E3D80, v0;
	(ifvalue) =	ssetifvalue $0x7FFFFFFF  }
0xee: {  	s22 =	sadd.s32 $0x3100, s21;
	(ifvalue) =	ssetifvalue $0x7FFFFFFF  }
0xef: {  	[tilespmem:s22], [sflag:$0x1] =	stream.indirect_vreg.gather [hbm4b:s2+s13], $0x1, v2, vm0, $0x4038;
	[tilespmem:$0x8400] =	vst v63  }
0xf0: {  	v2 =	vadd.s32 $0x16E3E00, v0;
	(ifvalue) =	ssetifvalue $0x7FFFFFFF  }
0xf1: {  	s22 =	sadd.s32 $0x3180, s21;
	(ifvalue) =	ssetifvalue $0x7FFFFFFF  }
0xf2: {  	[tilespmem:s22], [sflag:$0x1] =	stream.indirect_vreg.gather [hbm4b:s2+s13], $0x1, v1, vm0, $0x4038;
	[tilespmem:$0x8400] =	vst v63  }
0xf3: {  	v1 =	vadd.s32 $0x16E3E80, v0;
	(ifvalue) =	ssetifvalue $0x7FFFFFFF  }
0xf4: {  	s22 =	sadd.s32 $0x3200, s21;
	(ifvalue) =	ssetifvalue $0x7FFFFFFF  }
0xf5: {  	[tilespmem:s22], [sflag:$0x1] =	stream.indirect_vreg.gather [hbm4b:s2+s13], $0x1, v2, vm0, $0x4038;
	[tilespmem:$0x8400] =	vst v63  }
0xf6: {  	v2 =	vadd.s32 $0x16E3F00, v0;
	(ifvalue) =	ssetifvalue $0x7FFFFFFF  }
0xf7: {  	s22 =	sadd.s32 $0x3280, s21;
	(ifvalue) =	ssetifvalue $0x7FFFFFFF  }
0xf8: {  	[tilespmem:s22], [sflag:$0x1] =	stream.indirect_vreg.gather [hbm4b:s2+s13], $0x1, v1, vm0, $0x4038;
	[tilespmem:$0x8400] =	vst v63  }
.Ltmp3:
0xf9: {  	v0 =	vadd.s32 $0x16E3F80, v0;
	(ifvalue) =	ssetifvalue $0x7FFFFFFF;
	(pc) =	sbr.rel @p1 .LBB2_3-.Ltmp3, $4  }
0xfa: {  	s22 =	sadd.s32 $0x3300, s21;
	(ifvalue) =	ssetifvalue $0x7FFFFFFF  }
0xfb: {  	[tilespmem:s22], [sflag:$0x1] =	stream.indirect_vreg.gather [hbm4b:s2+s13], $0x1, v2, vm0, $0x4038;
	[tilespmem:$0x8400] =	vst v63  }
0xfc: {  	s19 =	sadd.s32 $0x10, s19;
	(ifvalue) =	ssetifvalue $0x7FFFFFFF  }
0xfd: {  	s20 =	sadd.s32 $0x80, s20;
	s21 =	sadd.s32 $0x3380, s21;
	(ifvalue) =	ssetifvalue $0x7FFFFFFF  }
.Ltmp4:
0xfe: {  	_ = 	snop;
	(pc) =	sbr.rel .LBB2_4-.Ltmp4, $1  }
0xff: {  	_ =	sdelay $0x3  }
.LBB2_6:
0x100: {  	_ =	sfence.sel $0x180000  }
0x101: {  	s2 =	simm.s32 $0x2;
	[bflag:$0x0] =	sbarrier.arrive $0xFFFF  }
0x102: {  	s30 =	simm.s32 $0x3;
	[sflag:s2] =	ssyncpa.u1 $0x1  }
0x103: {  	s31 =	simm.s32 $0x1;
	[sflag:s30] =	ssyncpa.u1 $0x1  }
0x104: {  	[sflag:s31] =	ssyncpa.u1 $0x1  }
0x105: {  	p0 =	sne.s32 s1, $0x0;
	_ =	strace $0x9000004A  }
0x106: {  	s0 =	sadd.s32 @!p0 $0x100000, s0;
	[bflag:$0x2] =	sbarrier.arrive $0xFFFF  }
0x107: {  	[sflag:s0] =	ssyncadd.tile.s32 @!p0 $0x1;
	_ =	shalt  }
.Lfunc_end2:
_tile_overlayer_lowered:
.L_overlay_start_2:
0x108: {  	(tag) =	ssettag $0x2  }
0x109: {  	s0 =	rddreg [dreg:$0x0];
	s2 =	stileid.u32  }
0x10a: {  	s1 =	rddreg [dreg:$0x1];
	p0 =	sne.s32 s2, $0x0  }
0x10b: {  	s3 =	rddreg [dreg:$0x2];
	[bflag:$0x3] =	sbarrier.arrive $0xFFFF;
	s2 =	simm.s32 @!p0 $0x1C01  }
0x10c: {  	[timem:s3], [sflag:s2] =	dma.local @!p0 [hbm:s0], s1  }
0x10d: {  	s0 =	simm.s32 @!p0 $0x1  }
0x10e: {  	_ =	swait.ge @!p0 [sflag:s0], s1  }
0x10f: {  	s1 =	ssub.s32 @!p0 $0x0, s1;
	[sflag:s0] =	ssyncset.done @!p0 $0x0  }
0x110: {  	[sflag:s0] =	ssyncadd.s32 @!p0 s1  }
0x111: {  	[bflag:$0x3] =	sbarrier.arrive $0xFFFF  }
0x112: {  	_ =	shalt  }

// kernel: kernel.3.cloned.1.call-start
scs
__scs_entry_jumppad:
0x0: {  	(pc) =	sbr.rel $0x88, $3  }
0x1: {  	(tag) =	ssettag $0x0;
	lr =	simm.s32 $0x1  }
0x2: {  	[smem:$0x3F9B] =	sst lr;
	_ =	strace $0xD0000000  }
0x3: {  	_ = 	snop  }
0x4: {  	_ = 	snop  }
0x5: {  	_ = 	snop  }
0x6: {  	_ = 	snop  }
0x7: {  	_ = 	snop  }
__scs_overlays_trampoline_lowered:
0x8: {  	[smem:$0x3FAA] =	sst s0  }
0x9: {  	[smem:$0x3FAB] =	sst s1  }
0xa: {  	[smem:$0x3FAC] =	sst s2  }
0xb: {  	[smem:$0x3FAD] =	sst s3  }
0xc: {  	[smem:$0x3FAE] =	sst s4  }
0xd: {  	[smem:$0x3FAF] =	sst s5  }
0xe: {  	[smem:$0x3FB0] =	sst s6  }
0xf: {  	[smem:$0x3FB1] =	sst s7  }
0x10: {  	[smem:$0x3FB2] =	sst s8  }
0x11: {  	[smem:$0x3FB3] =	sst s9;
	s0 =	simm.s32 @!p0 $0x0  }
0x12: {  	s1 =	sld [smem:$0x3F99];
	s0 =	simm.s32 @p0 $0x1  }
0x13: {  	[smem:$0x3FB4] =	sst s0;
	s0 =	simm.s32 @!p1 $0x0  }
0x14: {  	s2 =	sld [smem:$0x3F98];
	s0 =	simm.s32 @p1 $0x1  }
0x15: {  	[smem:$0x3FB5] =	sst s0;
	s0 =	simm.s32 @!p2 $0x0  }
0x16: {  	s3 =	sld [smem:$0x3FDB];
	s0 =	simm.s32 @p2 $0x1  }
0x17: {  	s4 =	simm.s32 $0x1BF5;
	[smem:$0x3FB7] =	sst s0  }
0x18: {  	s0 =	sld [smem:$0x3F9A];
	_ =	swait.ge [sflag:s4], $0x0  }
0x19: {  	s7 =	sld [smem:$0x3F9B]  }
0x1a: {  	s8 =	sadd.s32 $0xFFFFE003, lr  }
0x1b: {  	s9 =	sadd.s32 $0xFFFFFEF7, lr;
	s5 =	simm.s32 $0xFFFFFFFF;
	p2 =	slt.u32 s8, $0xFFFFF086  }
0x1c: {  	p1 =	slt.u32 s9, $0xF7A;
	s5 =	simm.s32 @!p2 $0x0  }
0x1d: {  	s5 =	simm.s32 @p1 $0x1;
	p0 =	seq.s32 s7, s2  }
0x1e: {  	s7 =	smul.u32 @!p0 $0xF7A, s2;
	p2 =	seq.s32 @!p0 s5, $0x0  }
0x1f: {  	s9 =	smul.u32 $0xF7A, s1;
	s8 =	simm.s32 @!p0 $0x1BF5;
	p2 =	por !p2, p0  }
0x20: {  	[sflag:s8] =	ssyncset.s32 @!p0 $0xFFFFF086;
	s6 =	sadd.s32 @!p0 s3, s7;
	s7 =	simm.s32 @!p0 $0x108  }
0x21: {  	s3 =	sadd.s32 s3, s9;
	s6 =	sadd.s32 @!p0 $0x88, s6;
	s7 =	simm.s32 @p2 $0x1082  }
0x22: {  	[simem:s7], [sflag:s8] =	dma.local @!p0 [hbm:s6], $0xF7A  }
0x23: {  	s9 =	sor.u32 $0xD0000000, s2;
	s6 =	simm.s32 $0x108;
	_ =	swait.ge @!p0 [sflag:s8], $0x0  }
0x24: {  	s3 =	sadd.s32 $0x88, s3;
	s6 =	simm.s32 @!p1 $0x1082;
	[sflag:s4] =	ssyncset.s32 $0xFFFFF086  }
0x25: {  	[simem:s6], [sflag:s4] =	dma.local [hbm:s3], $0xF7A  }
0x26: {  	[smem:$0x3F9B] =	sst s1;
	(tag) =	ssettag s2;
	_ =	strace s9  }
0x27: {  	s1 =	sld [smem:$0x3FAB]  }
0x28: {  	s2 =	sld [smem:$0x3FAC]  }
0x29: {  	s4 =	sld [smem:$0x3FAE]  }
0x2a: {  	p0 =	seq.s32 s5, $0x0;
	s5 =	sld [smem:$0x3FAF]  }
0x2b: {  	s6 =	sld [smem:$0x3FB0]  }
0x2c: {  	s7 =	sld [smem:$0x3FB1]  }
0x2d: {  	s3 =	simm.s32 $0x108;
	s8 =	sld [smem:$0x3FB2]  }
0x2e: {  	s3 =	simm.s32 @!p0 $0x1082;
	s9 =	sld [smem:$0x3FB3]  }
0x2f: {  	lr =	sadd.s32 s0, s3;
	s0 =	sld [smem:$0x3FAA]  }
0x30: {  	s3 =	sld [smem:$0x3FAD]  }
0x31: {  	[smem:$0x3FB6] =	sst s10  }
0x32: {  	s10 =	sld [smem:$0x3FB4];
	_ =	sdelay $0x3  }
0x33: {  	p0 =	seq.s32 s10, $0x1;
	s10 =	sld [smem:$0x3FB6];
	_ =	sdelay $0x3  }
0x34: {  	[smem:$0x3FB6] =	sst s10  }
0x35: {  	s10 =	sld [smem:$0x3FB5];
	_ =	sdelay $0x3  }
0x36: {  	p1 =	seq.s32 s10, $0x1;
	s10 =	sld [smem:$0x3FB6];
	_ =	sdelay $0x3  }
0x37: {  	[smem:$0x3FB6] =	sst s10  }
0x38: {  	s10 =	sld [smem:$0x3FB7]  }
0x39: {  	_ = 	snop;
	(pc) =	sbr.ind lr, $3  }
0x3a: {  	_ = 	snop  }
0x3b: {  	_ = 	snop  }
0x3c: {  	p2 =	seq.s32 s10, $0x1;
	s10 =	sld [smem:$0x3FB6]  }
0x3d: {  	_ =	shalt  }
0x3e: {  	_ =	shalt  }
0x3f: {  	_ =	shalt  }
0x40: {  	_ =	shalt  }
0x41: {  	_ =	shalt  }
0x42: {  	_ =	shalt  }
0x43: {  	_ =	shalt  }
0x44: {  	_ =	shalt  }
0x45: {  	_ =	shalt  }
0x46: {  	_ =	shalt  }
0x47: {  	_ =	shalt  }
0x48: {  	_ =	shalt  }
0x49: {  	_ =	shalt  }
0x4a: {  	_ =	shalt  }
0x4b: {  	_ =	shalt  }
0x4c: {  	_ =	shalt  }
0x4d: {  	_ =	shalt  }
0x4e: {  	_ =	shalt  }
0x4f: {  	_ =	shalt  }
0x50: {  	_ =	shalt  }
0x51: {  	_ =	shalt  }
0x52: {  	_ =	shalt  }
0x53: {  	_ =	shalt  }
0x54: {  	_ =	shalt  }
0x55: {  	_ =	shalt  }
0x56: {  	_ =	shalt  }
0x57: {  	_ =	shalt  }
0x58: {  	_ =	shalt  }
0x59: {  	_ =	shalt  }
0x5a: {  	_ =	shalt  }
0x5b: {  	_ =	shalt  }
0x5c: {  	_ =	shalt  }
0x5d: {  	_ =	shalt  }
0x5e: {  	_ =	shalt  }
0x5f: {  	_ =	shalt  }
0x60: {  	_ =	shalt  }
0x61: {  	_ =	shalt  }
0x62: {  	_ =	shalt  }
0x63: {  	_ =	shalt  }
0x64: {  	_ =	shalt  }
0x65: {  	_ =	shalt  }
0x66: {  	_ =	shalt  }
0x67: {  	_ =	shalt  }
0x68: {  	_ =	shalt  }
0x69: {  	_ =	shalt  }
0x6a: {  	_ =	shalt  }
0x6b: {  	_ =	shalt  }
0x6c: {  	_ =	shalt  }
0x6d: {  	_ =	shalt  }
0x6e: {  	_ =	shalt  }
0x6f: {  	_ =	shalt  }
0x70: {  	_ =	shalt  }
0x71: {  	_ =	shalt  }
0x72: {  	_ =	shalt  }
0x73: {  	_ =	shalt  }
0x74: {  	_ =	shalt  }
0x75: {  	_ =	shalt  }
0x76: {  	_ =	shalt  }
0x77: {  	_ =	shalt  }
0x78: {  	_ =	shalt  }
0x79: {  	_ =	shalt  }
0x7a: {  	_ =	shalt  }
0x7b: {  	_ =	shalt  }
0x7c: {  	_ =	shalt  }
0x7d: {  	_ =	shalt  }
0x7e: {  	_ =	shalt  }
0x7f: {  	_ =	shalt  }
0x80: {  	_ =	shalt  }
0x81: {  	_ =	shalt  }
0x82: {  	_ =	shalt  }
0x83: {  	_ =	shalt  }
0x84: {  	_ =	shalt  }
0x85: {  	_ =	shalt  }
0x86: {  	_ =	shalt  }
0x87: {  	_ =	shalt  }
.Lfunc_end0:
.L_simem_size_0:
called_computation.2_lowered:
.L_overlay_start_0:
0x88: {  	s2 =	sld [smem:$0x3FD9]  }
0x89: {  	s3 =	sld [smem:$0x3FFE];
	_ =	sdelay $0x1  }
0x8a: {  	s1 =	srdreg.scid  }
0x8b: {  	s0 =	sand.u32 $0x1, s1  }
0x8c: {  	s17 =	sshll.u32 s0, $0xA;
	s2 =	sadd.s32 s3, s2  }
0x8d: {  	s2 =	sadd.s32 s2, s17  }
0x8e: {  	[smem:$0x3FC2] =	sst s2  }
0x8f: {  	_ = 	snop  }
0x90: {  	s2 =	sld [smem:$0x3FC9]  }
0x91: {  	s18 =	sld [smem:$0x3FC8]  }
0x92: {  	s4 =	sld [smem:$0x3FD0];
	(tm) =	ssettm $0x1  }
0x93: {  	s5 =	sld [smem:$0x3FFB];
	_ =	sdelay $0x3  }
0x94: {  	_ =	strace s5  }
0x95: {  	s5 =	sld [smem:$0x3FFC];
	_ =	sdelay $0x3  }
0x96: {  	_ =	strace s5  }
0x97: {  	s5 =	sld [smem:$0x3FFD];
	_ =	sdelay $0x3  }
0x98: {  	_ =	strace s5  }
0x99: {  	_ =	strace $0x8FFFFFFF  }
0x9a: {  	s19 =	sld [smem:$0x3FDB];
	_ =	sdelay $0x1  }
0x9b: {  	s6 =	simm.s32 $_scs_section_size  }
0x9c: {  	s7 =	simm.s32 $_size__tile_overlayer_lowered;
	s8 =	simm.s32 $_tile_overlayer_lowered  }
0x9d: {  	s22 =	simm.s32 $0x1BFF;
	s21 =	sshll.u32 s8, $0x1;
	s5 =	sadd.s32 s6, s19  }
0x9e: {  	s9 =	simm.s32 $0x0;
	s20 =	sshll.u32 s7, $0x1;
	s7 =	sadd.s32 s21, s5  }
0x9f: {  	[timem:s9], [sflag:s22] =	dma.local [hbm:s7], s20  }
0xa0: {  	_ =	swait.ge [sflag:s22], s20  }
0xa1: {  	s6 =	ssub.s32 $0x0, s20;
	[sflag:s22] =	ssyncset.done $0x0  }
0xa2: {  	[sflag:s22] =	ssyncadd.s32 s6;
	_ =	sdelay $0x1  }
0xa3: {  	s23 =	simm.s32 $0x1B8B  }
0xa4: {  	_ =	swait.ge [sflag:s23], $0x1  }
0xa5: {  	[sflag:s23] =	ssyncset.done $0x0  }
0xa6: {  	s25 =	simm.s32 $0x1B8E;
	s24 =	sld [smem:$0x3FFE];
	[sflag:s23] =	ssyncadd.s32 $0xFFFFFFFF  }
0xa7: {  	s26 =	simm.s32 $execute0_lowered;
	[smem:$0x3FD2] =	sst s25  }
0xa8: {  	s7 =	sshll.u32 s26, $0x1;
	_ =	strace $0x8000004C;
	[dreg:$0x1] =	wrdreg $0xFFFFFFFF  }
0xa9: {  	s28 =	simm.s32 $_size_execute0_lowered;
	s5 =	sadd.s32 s5, s7;
	[dreg:$0x0] =	wrdreg $0x0  }
0xaa: {  	s7 =	sshll.u32 s28, $0x1;
	[dreg:$0x2] =	wrdreg s5  }
0xab: {  	[dreg:$0x3] =	wrdreg s7  }
0xac: {  	[dreg:$0x4] =	wrdreg $0xC0  }
0xad: {  	_ =	task [dreg:s9], $0x5FFFF  }
0xae: {  	[dreg:$0x1] =	wrdreg $0xFFFFFFFF  }
0xaf: {  	[dreg:$0x0] =	wrdreg $0x60  }
0xb0: {  	[dreg:$0x2] =	wrdreg s2  }
0xb1: {  	[dreg:$0x3] =	wrdreg s18  }
0xb2: {  	[dreg:$0x4] =	wrdreg s24  }
0xb3: {  	[dreg:$0x5] =	wrdreg s4  }
0xb4: {  	[dreg:$0x6] =	wrdreg $0x9  }
0xb5: {  	_ =	task.clear_ibuf [dreg:s9], $0x7FFFF;
	_ =	strace $0x9000004C  }
0xb6: {  	s29 =	simm.s32 $0x9;
	_ =	strace $0x8000004E  }
0xb7: {  	_ =	swait.ge [sflag:s29], $0x1  }
0xb8: {  	[sflag:s29] =	ssyncadd.s32 $0xFFFFFFFF  }
0xb9: {  	_ =	strace $0x9000004E  }
0xba: {  	_ =	sfence  }
0xbb: {  	s30 =	sld [smem:$0x0];
	_ =	sdelay $0x2  }
0xbc: {  	s31 =	sshll.u32 s1, $0xD;
	s1 =	sshrl.u32 s1, $0x2  }
0xbd: {  	s3 =	sand.u32 $0x4000, s31;
	s1 =	sadd.s32 s1, s30  }
0xbe: {  	s0 =	sor.u32 s3, s0;
	s1 =	sshll.u32 s1, $0x11  }
0xbf: {  	s0 =	sor.u32 s1, s0  }
0xc0: {  	s0 =	sadd.s32 $0x8F2B, s0  }
0xc1: {  	[sflag:s0] =	ssyncadd.remote.s32 $0x1  }
0xc2: {  	_ =	sfence.sel $0xFFFF  }
0xc3: {  	[dreg:$0x0] =	wrdreg $0xFFFFFFFF;
	(pc) =	sbr.abs _section_cstart, $3  }
0xc4: {  	[dreg:$0x1] =	wrdreg $0xFFFFFFFF  }
0xc5: {  	_ =	task.clear_ibuf [dreg:s9], $0x2FFFF;
	_ =	strace $0x9FFFFFFF  }
0xc6: {  	(tm) =	ssettm $0x7FFFFFFF  }
0xc7: {  	_ =	shalt  }
tec
execute0_lowered:
.L_overlay_start_1:
0x0: {  	(tag) =	ssettag $0x1  }
0x1: {  	s0 =	rddreg [dreg:$0x0]  }
0x2: {  	s6 =	rddreg [dreg:$0x1]  }
0x3: {  	s4 =	rddreg [dreg:$0x2]  }
0x4: {  	s9 =	rddreg [dreg:$0x3];
	s3 =	srdreg.scid  }
0x5: {  	s1 =	stileid.u32;
	s2 =	simm.s32 $0x0;
	s13 =	simm.s32 $0x1000  }
0x6: {  	s14 =	simm.s32 $0x20000;
	s15 =	simm.s32 $0x400;
	s16 =	simm.s32 $0x4400  }
0x7: {  	s17 =	simm.s32 $0x1;
	s18 =	simm.s32 $0x2;
	s19 =	simm.s32 $0x3  }
0x8: {  	s20 =	simm.s32 $0x4;
	s21 =	simm.s32 $0x8800;
	s22 =	simm.s32 $0x0  }
0x9: {  	s3 =	sand.u32 $0x1, s3;
	s5 =	sshll.u32 s1, $0x1;
	[smem:$0x7FF] =	sst s2  }
0xa: {  	s5 =	sor.u32 s3, s5;
	_ =	strace $0x8000004D;
	s8 =	ssub.s32 $0x2, s3  }
0xb: {  	s3 =	sadd.s32 $0x1DAE00, s4;
	s7 =	sshll.u32 s5, $0x9;
	s31 =	sshrl.u32 s8, $0x1  }
0xc: {  	s12 =	sshll.u32 s5, $0x6;
	s10 =	sadd.s32 s7, s4;
	s4 =	sadd.s32 $0x1D7C00, s4  }
0xd: {  	s11 =	ssub.s32 s8, s31;
	s5 =	sadd.s32 s0, s12;
	s6 =	sadd.s32 s6, s12  }
0xe: {  	s9 =	sadd.s32 s9, s12;
	s12 =	simm.s32 $0x200;
	s7 =	sadd.s32 $0x1C7C00, s10  }
0xf: {  	s8 =	sadd.s32 $0xA00, s10;
	s10 =	smax.u32 s11, $0x1;
	s11 =	simm.s32 $0x5  }
.LBB2_1:
0x10: {  	[tilespmem:s2], [sflag:$0x5] =	stream.linear.gather [hbm4b:s5+s2], $0x200, $0x38;
	[tilespmem:$0x8A00] =	vst v63  }
0x11: {  	_ =	swait.ge [sflag:s11], $0x200  }
0x12: {  	[sflag:s11] =	ssyncset.done $0x0  }
0x13: {  	[sflag:s11] =	ssyncadd.s32 $0xFFFFFE00  }
0x14: {  	[tilespmem:s12], [sflag:$0x5] =	stream.linear.gather [hbm4b:s6+s2], $0x200, $0x38;
	[tilespmem:$0x8A00] =	vst v63  }
0x15: {  	_ =	swait.ge [sflag:s11], $0x200  }
0x16: {  	[sflag:s11] =	ssyncset.done $0x0  }
0x17: {  	[sflag:s11] =	ssyncadd.s32 $0xFFFFFE00  }
0x18: {  	[tilespmem:s15], [sflag:$0x1] =	stream.strided.gather [hbm4b:s7+s13], $0x4000, s14, s13, $0x38;
	[tilespmem:$0x8A00] =	vst v63  }
0x19: {  	_ = 	snop  }
0x1a: {  	[tilespmem:s16], [sflag:$0x2] =	stream.strided.gather [hbm4b:s8+s13], $0x4000, s14, s13, $0x38;
	[tilespmem:$0x8A00] =	vst v63  }
0x1b: {  	s0 =	simm.s32 $0x8400  }
0x1c: {  	[tilespmem:s0], [sflag:$0x3] =	stream.indirect.gather [hbm4b:s3+s12], $0x1, s2, s12, $0xb8;
	[tilespmem:$0x8A00] =	vst v63  }
0x1d: {  	s23 =	simm.s32 $0x8600  }
0x1e: {  	[tilespmem:s23], [sflag:$0x4] =	stream.indirect.gather [hbm4b:s4+s12], $0x1, s12, s12, $0xb8;
	[tilespmem:$0x8A00] =	vst v63  }
0x1f: {  	_ =	swait.ge [sflag:s17], $0x4000  }
0x20: {  	[sflag:s17] =	ssyncset.done $0x0  }
0x21: {  	[sflag:s17] =	ssyncadd.s32 $0xFFFFC000  }
0x22: {  	_ =	swait.ge [sflag:s18], $0x4000  }
0x23: {  	[sflag:s18] =	ssyncset.done $0x0  }
0x24: {  	[sflag:s18] =	ssyncadd.s32 $0xFFFFC000  }
0x25: {  	_ =	swait.ge [sflag:s19], $0x200  }
0x26: {  	[sflag:s19] =	ssyncset.done $0x0  }
0x27: {  	[sflag:s19] =	ssyncadd.s32 $0xFFFFFE00  }
0x28: {  	_ =	swait.ge [sflag:s20], $0x200  }
0x29: {  	[sflag:s20] =	ssyncset.done $0x0  }
0x2a: {  	[sflag:s20] =	ssyncadd.s32 $0xFFFFFE00  }
0x2b: {  	s25 =	sand.u32 $0x70, s2;
	s24 =	sand.u32 $0xC00, s2;
	v0 =	vld [tilespmem:s23+$0x0]  }
0x2c: {  	v1 =	vld [tilespmem:s0+$0x0];
	s0 =	sor.u32 s25, s24  }
0x2d: {  	v2 =	vld [tilespmem:s0+$0x400]  }
0x2e: {  	v3 =	vld [tilespmem:s0+$0x4400]  }
0x2f: {  	v4 =	vld [tilespmem:s0+$0x480]  }
0x30: {  	s26 =	sand.u32 $0xFFFFFC00, s2;
	v5 =	vld [tilespmem:s0+$0x4480]  }
0x31: {  	s23 =	sadd.s32 $0x0, s26;
	v6 =	vld [tilespmem:s0+$0x500]  }
0x32: {  	v7 =	vld [tilespmem:s0+$0x4500];
	s31 =	sor.u32 $0x180, s23  }
0x33: {  	v0 =	vadd.f32 v0, v1;
	v1 =	vmul.f32 v3, v2;
	v2 =	vld [tilespmem:s31+$0x400]  }
0x34: {  	v3 =	vld [tilespmem:s31+$0x4400]  }
0x35: {  	v26 =	vld [tilespmem:s0+$0x600];
	v0 =	vadd.f32 v1, v0;
	v1 =	vmul.f32 v5, v4  }
0x36: {  	v27 =	vld [tilespmem:s0+$0x4600]  }
0x37: {  	v28 =	vld [tilespmem:s0+$0x680];
	v0 =	vadd.f32 v1, v0;
	v1 =	vmul.f32 v7, v6  }
0x38: {  	v29 =	vld [tilespmem:s0+$0x4680]  }
0x39: {  	s24 =	sor.u32 s2, s2;
	v0 =	vadd.f32 v1, v0;
	v1 =	vmul.f32 v3, v2;
	v2 =	vld [tilespmem:s0+$0x700]  }
0x3a: {  	s25 =	sor.u32 $0x380, s24;
	v3 =	vld [tilespmem:s0+$0x4700]  }
0x3b: {  	v30 =	vld [tilespmem:s25+$0x400];
	v0 =	vadd.f32 v1, v0;
	v1 =	vmul.f32 v27, v26  }
0x3c: {  	v31 =	vld [tilespmem:s25+$0x4400]  }
0x3d: {  	v32 =	vld [tilespmem:s0+$0x1400];
	v0 =	vadd.f32 v1, v0;
	v1 =	vmul.f32 v29, v28  }
0x3e: {  	v33 =	vld [tilespmem:s0+$0x5400]  }
0x3f: {  	v0 =	vadd.f32 v1, v0;
	v1 =	vmul.f32 v3, v2;
	v2 =	vld [tilespmem:s0+$0x1480]  }
0x40: {  	v3 =	vld [tilespmem:s0+$0x5480]  }
0x41: {  	v34 =	vld [tilespmem:s0+$0x1500];
	v0 =	vadd.f32 v1, v0;
	v1 =	vmul.f32 v31, v30  }
0x42: {  	v35 =	vld [tilespmem:s0+$0x5500];
	s1 =	sor.u32 $0x1180, s23  }
0x43: {  	v36 =	vld [tilespmem:s1+$0x400];
	v0 =	vadd.f32 v1, v0;
	v1 =	vmul.f32 v33, v32  }
0x44: {  	v37 =	vld [tilespmem:s1+$0x4400]  }
0x45: {  	v0 =	vadd.f32 v1, v0;
	v1 =	vmul.f32 v3, v2;
	v2 =	vld [tilespmem:s0+$0x1600]  }
0x46: {  	v3 =	vld [tilespmem:s0+$0x5600]  }
0x47: {  	v38 =	vld [tilespmem:s0+$0x1680];
	v0 =	vadd.f32 v1, v0;
	v1 =	vmul.f32 v35, v34  }
0x48: {  	v39 =	vld [tilespmem:s0+$0x5680]  }
0x49: {  	v40 =	vld [tilespmem:s0+$0x1700];
	v0 =	vadd.f32 v1, v0;
	v1 =	vmul.f32 v37, v36  }
0x4a: {  	v41 =	vld [tilespmem:s0+$0x5700];
	s26 =	sor.u32 $0x1380, s24  }
0x4b: {  	v0 =	vadd.f32 v1, v0;
	v1 =	vmul.f32 v3, v2;
	v2 =	vld [tilespmem:s26+$0x400]  }
0x4c: {  	v3 =	vld [tilespmem:s26+$0x4400]  }
0x4d: {  	v42 =	vld [tilespmem:s0+$0x2400];
	v0 =	vadd.f32 v1, v0;
	v1 =	vmul.f32 v39, v38  }
0x4e: {  	v43 =	vld [tilespmem:s0+$0x6400]  }
0x4f: {  	v44 =	vld [tilespmem:s0+$0x2480];
	v0 =	vadd.f32 v1, v0;
	v1 =	vmul.f32 v41, v40  }
0x50: {  	v45 =	vld [tilespmem:s0+$0x6480]  }
0x51: {  	v0 =	vadd.f32 v1, v0;
	v1 =	vmul.f32 v3, v2;
	v2 =	vld [tilespmem:s0+$0x2500]  }
0x52: {  	s31 =	sor.u32 $0x2180, s23;
	v3 =	vld [tilespmem:s0+$0x6500]  }
0x53: {  	v46 =	vld [tilespmem:s31+$0x400];
	v0 =	vadd.f32 v1, v0;
	v1 =	vmul.f32 v43, v42  }
0x54: {  	v47 =	vld [tilespmem:s31+$0x4400]  }
0x55: {  	v48 =	vld [tilespmem:s0+$0x2600];
	v0 =	vadd.f32 v1, v0;
	v1 =	vmul.f32 v45, v44  }
0x56: {  	v49 =	vld [tilespmem:s0+$0x6600]  }
0x57: {  	v0 =	vadd.f32 v1, v0;
	v1 =	vmul.f32 v3, v2;
	v2 =	vld [tilespmem:s0+$0x2680]  }
0x58: {  	v3 =	vld [tilespmem:s0+$0x6680]  }
0x59: {  	v50 =	vld [tilespmem:s0+$0x2700];
	v0 =	vadd.f32 v1, v0;
	v1 =	vmul.f32 v47, v46  }
0x5a: {  	v51 =	vld [tilespmem:s0+$0x6700];
	s1 =	sor.u32 $0x2380, s24  }
0x5b: {  	v52 =	vld [tilespmem:s1+$0x400];
	v0 =	vadd.f32 v1, v0;
	v1 =	vmul.f32 v49, v48  }
0x5c: {  	v53 =	vld [tilespmem:s1+$0x4400]  }
0x5d: {  	v0 =	vadd.f32 v1, v0;
	v1 =	vmul.f32 v3, v2;
	v2 =	vld [tilespmem:s0+$0x3400]  }
0x5e: {  	v3 =	vld [tilespmem:s0+$0x7400]  }
0x5f: {  	v54 =	vld [tilespmem:s0+$0x3480];
	v0 =	vadd.f32 v1, v0;
	v1 =	vmul.f32 v51, v50  }
0x60: {  	v55 =	vld [tilespmem:s0+$0x7480]  }
0x61: {  	v56 =	vld [tilespmem:s0+$0x3500];
	v0 =	vadd.f32 v1, v0;
	v1 =	vmul.f32 v53, v52  }
0x62: {  	v57 =	vld [tilespmem:s0+$0x7500];
	s23 =	sor.u32 $0x3180, s23  }
0x63: {  	v0 =	vadd.f32 v1, v0;
	v1 =	vmul.f32 v3, v2;
	v2 =	vld [tilespmem:s23+$0x400]  }
0x64: {  	v3 =	vld [tilespmem:s23+$0x4400]  }
0x65: {  	v58 =	vld [tilespmem:s0+$0x3600];
	v0 =	vadd.f32 v1, v0;
	v1 =	vmul.f32 v55, v54  }
0x66: {  	v59 =	vld [tilespmem:s0+$0x7600]  }
0x67: {  	v60 =	vld [tilespmem:s0+$0x3680];
	v0 =	vadd.f32 v1, v0;
	v1 =	vmul.f32 v57, v56  }
0x68: {  	v61 =	vld [tilespmem:s0+$0x7680]  }
0x69: {  	v0 =	vadd.f32 v1, v0;
	v1 =	vmul.f32 v3, v2;
	v2 =	vld [tilespmem:s0+$0x3700]  }
0x6a: {  	s23 =	sor.u32 $0x3380, s24;
	v3 =	vld [tilespmem:s0+$0x7700]  }
0x6b: {  	v62 =	vld [tilespmem:s23+$0x400];
	v0 =	vadd.f32 v1, v0;
	v1 =	vmul.f32 v59, v58  }
0x6c: {  	v63 =	vld [tilespmem:s23+$0x4400]  }
0x6d: {  	v0 =	vadd.f32 v1, v0;
	v1 =	vmul.f32 v61, v60;
	_ =	sdelay $0x1  }
0x6e: {  	v0 =	vadd.f32 v1, v0;
	v1 =	vmul.f32 v3, v2;
	_ =	sdelay $0x1  }
0x6f: {  	v0 =	vadd.f32 v1, v0;
	v1 =	vmul.f32 v63, v62;
	_ =	sdelay $0x1  }
0x70: {  	v0 =	vadd.f32 v1, v0;
	_ =	sdelay $0x1  }
0x71: {  	s28 =	simm.s32 $0x8610;
	s25 =	simm.s32 $0x80;
	s26 =	simm.s32 $0x10;
	[tilespmem:s21+$0x0] =	vst v0  }
0x72: {  	s29 =	simm.s32 $0x8410;
	s31 =	sand.u32 $0xC00, s25;
	s24 =	sand.u32 $0x70, s26;
	v0 =	vld [tilespmem:s28+$0x0]  }
0x73: {  	s30 =	simm.s32 $0x100;
	s24 =	sor.u32 s24, s31;
	s23 =	simm.s32 $0x8800;
	v1 =	vld [tilespmem:s29+$0x0]  }
.LBB2_2:
0x74: {  	p0 =	sne.s32 s30, $0xF80;
	v2 =	vld [tilespmem:s24+$0x400]  }
0x75: {  	v3 =	vld [tilespmem:s24+$0x4400]  }
0x76: {  	v4 =	vld [tilespmem:s24+$0x480]  }
0x77: {  	s0 =	sand.u32 $0xFFFFFC00, s25;
	v5 =	vld [tilespmem:s24+$0x4480]  }
0x78: {  	s31 =	sadd.s32 s0, s26;
	v6 =	vld [tilespmem:s24+$0x500]  }
0x79: {  	s0 =	sor.u32 $0x180, s31;
	v7 =	vld [tilespmem:s24+$0x4500]  }
0x7a: {  	v0 =	vadd.f32 v0, v1;
	v1 =	vmul.f32 v3, v2;
	v2 =	vld [tilespmem:s0+$0x400]  }
0x7b: {  	v3 =	vld [tilespmem:s0+$0x4400]  }
0x7c: {  	v0 =	vadd.f32 v1, v0;
	v1 =	vmul.f32 v5, v4;
	v4 =	vld [tilespmem:s24+$0x600]  }
0x7d: {  	v5 =	vld [tilespmem:s24+$0x4600]  }
0x7e: {  	v0 =	vadd.f32 v1, v0;
	v1 =	vmul.f32 v7, v6;
	v6 =	vld [tilespmem:s24+$0x680]  }
0x7f: {  	v7 =	vld [tilespmem:s24+$0x4680]  }
0x80: {  	s0 =	sor.u32 s26, s25;
	s25 =	smov.u32 s30;
	v0 =	vadd.f32 v1, v0;
	v1 =	vmul.f32 v3, v2;
	v2 =	vld [tilespmem:s24+$0x700]  }
0x81: {  	s1 =	sor.u32 $0x380, s0;
	v3 =	vld [tilespmem:s24+$0x4700]  }
0x82: {  	v0 =	vadd.f32 v1, v0;
	v1 =	vmul.f32 v5, v4;
	v4 =	vld [tilespmem:s1+$0x400]  }
0x83: {  	v5 =	vld [tilespmem:s1+$0x4400]  }
0x84: {  	v0 =	vadd.f32 v1, v0;
	v1 =	vmul.f32 v7, v6;
	v6 =	vld [tilespmem:s24+$0x1400]  }
0x85: {  	v7 =	vld [tilespmem:s24+$0x5400]  }
0x86: {  	v0 =	vadd.f32 v1, v0;
	v1 =	vmul.f32 v3, v2;
	v2 =	vld [tilespmem:s24+$0x1480]  }
0x87: {  	v3 =	vld [tilespmem:s24+$0x5480]  }
0x88: {  	v0 =	vadd.f32 v1, v0;
	v1 =	vmul.f32 v5, v4;
	v4 =	vld [tilespmem:s24+$0x1500]  }
0x89: {  	s1 =	sor.u32 $0x1180, s31;
	v5 =	vld [tilespmem:s24+$0x5500]  }
0x8a: {  	v0 =	vadd.f32 v1, v0;
	v1 =	vmul.f32 v7, v6;
	v6 =	vld [tilespmem:s1+$0x400]  }
0x8b: {  	v7 =	vld [tilespmem:s1+$0x4400]  }
0x8c: {  	v0 =	vadd.f32 v1, v0;
	v1 =	vmul.f32 v3, v2;
	v2 =	vld [tilespmem:s24+$0x1600]  }
0x8d: {  	v3 =	vld [tilespmem:s24+$0x5600]  }
0x8e: {  	v0 =	vadd.f32 v1, v0;
	v1 =	vmul.f32 v5, v4;
	v4 =	vld [tilespmem:s24+$0x1680]  }
0x8f: {  	v5 =	vld [tilespmem:s24+$0x5680]  }
0x90: {  	v0 =	vadd.f32 v1, v0;
	v1 =	vmul.f32 v7, v6;
	v6 =	vld [tilespmem:s24+$0x1700]  }
0x91: {  	s1 =	sor.u32 $0x1380, s0;
	v7 =	vld [tilespmem:s24+$0x5700]  }
0x92: {  	v0 =	vadd.f32 v1, v0;
	v1 =	vmul.f32 v3, v2;
	v2 =	vld [tilespmem:s1+$0x400]  }
0x93: {  	v3 =	vld [tilespmem:s1+$0x4400]  }
0x94: {  	v0 =	vadd.f32 v1, v0;
	v1 =	vmul.f32 v5, v4;
	v4 =	vld [tilespmem:s24+$0x2400]  }
0x95: {  	v5 =	vld [tilespmem:s24+$0x6400]  }
0x96: {  	v0 =	vadd.f32 v1, v0;
	v1 =	vmul.f32 v7, v6;
	v6 =	vld [tilespmem:s24+$0x2480]  }
0x97: {  	v7 =	vld [tilespmem:s24+$0x6480]  }
0x98: {  	v0 =	vadd.f32 v1, v0;
	v1 =	vmul.f32 v3, v2;
	v2 =	vld [tilespmem:s24+$0x2500]  }
0x99: {  	s1 =	sor.u32 $0x2180, s31;
	v3 =	vld [tilespmem:s24+$0x6500]  }
0x9a: {  	v0 =	vadd.f32 v1, v0;
	v1 =	vmul.f32 v5, v4;
	v4 =	vld [tilespmem:s1+$0x400]  }
0x9b: {  	v5 =	vld [tilespmem:s1+$0x4400]  }
0x9c: {  	v0 =	vadd.f32 v1, v0;
	v1 =	vmul.f32 v7, v6;
	v6 =	vld [tilespmem:s24+$0x2600]  }
0x9d: {  	v7 =	vld [tilespmem:s24+$0x6600]  }
0x9e: {  	v0 =	vadd.f32 v1, v0;
	v1 =	vmul.f32 v3, v2;
	v2 =	vld [tilespmem:s24+$0x2680]  }
0x9f: {  	v3 =	vld [tilespmem:s24+$0x6680]  }
0xa0: {  	v0 =	vadd.f32 v1, v0;
	v1 =	vmul.f32 v5, v4;
	v4 =	vld [tilespmem:s24+$0x2700]  }
0xa1: {  	s1 =	sor.u32 $0x2380, s0;
	v5 =	vld [tilespmem:s24+$0x6700]  }
0xa2: {  	v0 =	vadd.f32 v1, v0;
	v1 =	vmul.f32 v7, v6;
	v6 =	vld [tilespmem:s1+$0x400]  }
0xa3: {  	v7 =	vld [tilespmem:s1+$0x4400]  }
0xa4: {  	v0 =	vadd.f32 v1, v0;
	v1 =	vmul.f32 v3, v2;
	v2 =	vld [tilespmem:s24+$0x3400]  }
0xa5: {  	v3 =	vld [tilespmem:s24+$0x7400]  }
0xa6: {  	v0 =	vadd.f32 v1, v0;
	v1 =	vmul.f32 v5, v4;
	v4 =	vld [tilespmem:s24+$0x3480]  }
0xa7: {  	v5 =	vld [tilespmem:s24+$0x7480]  }
0xa8: {  	v0 =	vadd.f32 v1, v0;
	v1 =	vmul.f32 v7, v6;
	v6 =	vld [tilespmem:s24+$0x3500]  }
0xa9: {  	s1 =	sor.u32 $0x3180, s31;
	v7 =	vld [tilespmem:s24+$0x7500]  }
0xaa: {  	v0 =	vadd.f32 v1, v0;
	v1 =	vmul.f32 v3, v2;
	v2 =	vld [tilespmem:s1+$0x400]  }
0xab: {  	v3 =	vld [tilespmem:s1+$0x4400]  }
0xac: {  	v0 =	vadd.f32 v1, v0;
	v1 =	vmul.f32 v5, v4;
	v4 =	vld [tilespmem:s24+$0x3600]  }
0xad: {  	v5 =	vld [tilespmem:s24+$0x7600]  }
0xae: {  	v0 =	vadd.f32 v1, v0;
	v1 =	vmul.f32 v7, v6;
	v6 =	vld [tilespmem:s24+$0x3680]  }
0xaf: {  	v7 =	vld [tilespmem:s24+$0x7680]  }
0xb0: {  	v0 =	vadd.f32 v1, v0;
	v1 =	vmul.f32 v3, v2;
	v2 =	vld [tilespmem:s24+$0x3700]  }
0xb1: {  	s0 =	sor.u32 $0x3380, s0;
	v3 =	vld [tilespmem:s24+$0x7700]  }
0xb2: {  	v0 =	vadd.f32 v1, v0;
	v1 =	vmul.f32 v5, v4;
	v4 =	vld [tilespmem:s0+$0x400]  }
0xb3: {  	v5 =	vld [tilespmem:s0+$0x4400]  }
0xb4: {  	v0 =	vadd.f32 v1, v0;
	v1 =	vmul.f32 v7, v6;
	_ =	sdelay $0x1  }
0xb5: {  	v0 =	vadd.f32 v1, v0;
	v1 =	vmul.f32 v3, v2;
	_ =	sdelay $0x1  }
0xb6: {  	v0 =	vadd.f32 v1, v0;
	v1 =	vmul.f32 v5, v4;
	_ =	sdelay $0x1  }
.Ltmp0:
0xb7: {  	v0 =	vadd.f32 v1, v0;
	(pc) =	sbr.rel @p0 .LBB2_2-.Ltmp0, $4  }
0xb8: {  	s23 =	sadd.s32 $0x10, s23  }
0xb9: {  	s28 =	sadd.s32 $0x10, s28;
	s26 =	sadd.s32 $0x10, s26;
	[tilespmem:s23+$0x0] =	vst v0  }
0xba: {  	s29 =	sadd.s32 $0x10, s29;
	s1 =	sand.u32 $0xC00, s30;
	s0 =	sand.u32 $0x70, s26;
	v0 =	vld [tilespmem:s28+$0x0]  }
0xbb: {  	s30 =	sadd.s32 $0x80, s30;
	s24 =	sor.u32 s0, s1;
	v1 =	vld [tilespmem:s29+$0x0]  }
0xbc: {  	v2 =	vld [tilespmem:s24+$0x400]  }
0xbd: {  	v3 =	vld [tilespmem:s24+$0x4400]  }
0xbe: {  	v4 =	vld [tilespmem:s24+$0x480]  }
0xbf: {  	s0 =	sand.u32 $0xFFFFFC00, s25;
	v5 =	vld [tilespmem:s24+$0x4480]  }
0xc0: {  	v6 =	vld [tilespmem:s24+$0x500];
	s0 =	sadd.s32 s0, s26  }
0xc1: {  	v7 =	vld [tilespmem:s24+$0x4500];
	s1 =	sor.u32 $0x180, s0  }
0xc2: {  	v30 =	vld [tilespmem:s1+$0x400];
	v0 =	vadd.f32 v0, v1;
	v29 =	vmul.f32 v3, v2  }
0xc3: {  	v31 =	vld [tilespmem:s1+$0x4400]  }
0xc4: {  	v33 =	vld [tilespmem:s24+$0x600];
	v32 =	vmul.f32 v5, v4;
	v0 =	vadd.f32 v29, v0  }
0xc5: {  	v34 =	vld [tilespmem:s24+$0x4600]  }
0xc6: {  	v36 =	vld [tilespmem:s24+$0x680];
	v35 =	vmul.f32 v7, v6;
	v0 =	vadd.f32 v32, v0  }
0xc7: {  	v37 =	vld [tilespmem:s24+$0x4680]  }
0xc8: {  	v39 =	vld [tilespmem:s24+$0x700];
	s25 =	sor.u32 s26, s25;
	v38 =	vmul.f32 v31, v30;
	v0 =	vadd.f32 v35, v0  }
0xc9: {  	v40 =	vld [tilespmem:s24+$0x4700];
	s30 =	sor.u32 $0x380, s25  }
0xca: {  	v42 =	vld [tilespmem:s30+$0x400];
	v41 =	vmul.f32 v34, v33;
	v0 =	vadd.f32 v38, v0  }
0xcb: {  	v43 =	vld [tilespmem:s30+$0x4400]  }
0xcc: {  	v45 =	vld [tilespmem:s24+$0x1400];
	v44 =	vmul.f32 v37, v36;
	v0 =	vadd.f32 v41, v0  }
0xcd: {  	v46 =	vld [tilespmem:s24+$0x5400]  }
0xce: {  	v48 =	vld [tilespmem:s24+$0x1480];
	v47 =	vmul.f32 v40, v39;
	v0 =	vadd.f32 v44, v0  }
0xcf: {  	v49 =	vld [tilespmem:s24+$0x5480]  }
0xd0: {  	v51 =	vld [tilespmem:s24+$0x1500];
	v50 =	vmul.f32 v43, v42;
	v0 =	vadd.f32 v47, v0  }
0xd1: {  	v52 =	vld [tilespmem:s24+$0x5500];
	s31 =	sor.u32 $0x1180, s0  }
0xd2: {  	v54 =	vld [tilespmem:s31+$0x400];
	v53 =	vmul.f32 v46, v45;
	v0 =	vadd.f32 v50, v0  }
0xd3: {  	v55 =	vld [tilespmem:s31+$0x4400]  }
0xd4: {  	v57 =	vld [tilespmem:s24+$0x1600];
	v56 =	vmul.f32 v49, v48;
	v0 =	vadd.f32 v53, v0  }
0xd5: {  	v58 =	vld [tilespmem:s24+$0x5600]  }
0xd6: {  	v60 =	vld [tilespmem:s24+$0x1680];
	v59 =	vmul.f32 v52, v51;
	v0 =	vadd.f32 v56, v0  }
0xd7: {  	v61 =	vld [tilespmem:s24+$0x5680]  }
0xd8: {  	v63 =	vld [tilespmem:s24+$0x1700];
	v62 =	vmul.f32 v55, v54;
	v0 =	vadd.f32 v59, v0  }
0xd9: {  	v9 =	vld [tilespmem:s24+$0x5700];
	s26 =	sor.u32 $0x1380, s25  }
0xda: {  	v11 =	vld [tilespmem:s26+$0x400];
	v10 =	vmul.f32 v58, v57;
	v0 =	vadd.f32 v62, v0  }
0xdb: {  	v12 =	vld [tilespmem:s26+$0x4400]  }
0xdc: {  	v14 =	vld [tilespmem:s24+$0x2400];
	v13 =	vmul.f32 v61, v60;
	v0 =	vadd.f32 v10, v0  }
0xdd: {  	v15 =	vld [tilespmem:s24+$0x6400]  }
0xde: {  	v17 =	vld [tilespmem:s24+$0x2480];
	v16 =	vmul.f32 v9, v63;
	v0 =	vadd.f32 v13, v0  }
0xdf: {  	v18 =	vld [tilespmem:s24+$0x6480]  }
0xe0: {  	v20 =	vld [tilespmem:s24+$0x2500];
	v19 =	vmul.f32 v12, v11;
	v0 =	vadd.f32 v16, v0  }
0xe1: {  	v21 =	vld [tilespmem:s24+$0x6500];
	s28 =	sor.u32 $0x2180, s0  }
0xe2: {  	v23 =	vld [tilespmem:s28+$0x400];
	v22 =	vmul.f32 v15, v14;
	v0 =	vadd.f32 v19, v0  }
0xe3: {  	v24 =	vld [tilespmem:s28+$0x4400]  }
0xe4: {  	v26 =	vld [tilespmem:s24+$0x2600];
	v25 =	vmul.f32 v18, v17;
	v0 =	vadd.f32 v22, v0  }
0xe5: {  	v27 =	vld [tilespmem:s24+$0x6600]  }
0xe6: {  	v28 =	vmul.f32 v21, v20;
	v29 =	vld [tilespmem:s24+$0x2680];
	v0 =	vadd.f32 v25, v0  }
0xe7: {  	v30 =	vld [tilespmem:s24+$0x6680]  }
0xe8: {  	v33 =	vld [tilespmem:s24+$0x6700];
	v31 =	vmul.f32 v24, v23;
	v0 =	vadd.f32 v28, v0  }
0xe9: {  	s29 =	sor.u32 $0x2380, s25;
	v32 =	vld [tilespmem:s24+$0x2700]  }
0xea: {  	v34 =	vmul.f32 v27, v26;
	v36 =	vld [tilespmem:s29+$0x4400];
	v0 =	vadd.f32 v31, v0  }
0xeb: {  	v35 =	vld [tilespmem:s29+$0x400]  }
0xec: {  	v39 =	vld [tilespmem:s24+$0x7400];
	v37 =	vmul.f32 v30, v29;
	v0 =	vadd.f32 v34, v0  }
0xed: {  	v38 =	vld [tilespmem:s24+$0x3400]  }
0xee: {  	v42 =	vld [tilespmem:s24+$0x7480];
	v40 =	vmul.f32 v33, v32;
	v0 =	vadd.f32 v37, v0  }
0xef: {  	v41 =	vld [tilespmem:s24+$0x3480]  }
0xf0: {  	v45 =	vld [tilespmem:s24+$0x7500];
	v43 =	vmul.f32 v36, v35;
	v0 =	vadd.f32 v40, v0  }
0xf1: {  	s0 =	sor.u32 $0x3180, s0;
	v44 =	vld [tilespmem:s24+$0x3500]  }
0xf2: {  	v48 =	vld [tilespmem:s0+$0x4400];
	v46 =	vmul.f32 v39, v38;
	v0 =	vadd.f32 v43, v0  }
0xf3: {  	v47 =	vld [tilespmem:s0+$0x400]  }
0xf4: {  	v51 =	vld [tilespmem:s24+$0x7600];
	v49 =	vmul.f32 v42, v41;
	v0 =	vadd.f32 v46, v0  }
0xf5: {  	v50 =	vld [tilespmem:s24+$0x3600]  }
0xf6: {  	v54 =	vld [tilespmem:s24+$0x7680];
	v52 =	vmul.f32 v45, v44;
	v0 =	vadd.f32 v49, v0  }
0xf7: {  	v53 =	vld [tilespmem:s24+$0x3680]  }
0xf8: {  	v57 =	vld [tilespmem:s24+$0x7700];
	v55 =	vmul.f32 v48, v47;
	v0 =	vadd.f32 v52, v0  }
0xf9: {  	s30 =	sor.u32 $0x3380, s25;
	v56 =	vld [tilespmem:s24+$0x3700]  }
0xfa: {  	v60 =	vld [tilespmem:s30+$0x4400];
	v58 =	vmul.f32 v51, v50;
	v0 =	vadd.f32 v55, v0  }
0xfb: {  	v59 =	vld [tilespmem:s30+$0x400]  }
0xfc: {  	v61 =	vmul.f32 v54, v53;
	v0 =	vadd.f32 v58, v0;
	_ =	sdelay $0x1  }
0xfd: {  	v62 =	vmul.f32 v57, v56;
	v0 =	vadd.f32 v61, v0;
	_ =	sdelay $0x1  }
0xfe: {  	v63 =	vmul.f32 v60, v59;
	v0 =	vadd.f32 v62, v0;
	_ =	sdelay $0x1  }
0xff: {  	s22 =	sadd.s32 $0x1, s22;
	v0 =	vadd.f32 v63, v0  }
0x100: {  	p0 =	sne.s32 s22, s10;
	s31 =	sadd.s32 $0x10, s23  }
.Ltmp1:
0x101: {  	[tilespmem:s31+$0x0] =	vst v0;
	(pc) =	sbr.rel @p0 .LBB2_1-.Ltmp1, $4  }
0x102: {  	[hbm4b:s9+s2] =	stream.linear.scatter [tilespmem:s21], [sflag:$0x5], $0x200, $0x38;
	[tilespmem:$0x8A00] =	vst v63  }
0x103: {  	_ =	swait.ge [sflag:s11], $0x200  }
0x104: {  	[sflag:s11] =	ssyncset.done $0x0  }
0x105: {  	[sflag:s11] =	ssyncadd.s32 $0xFFFFFE00  }
0x106: {  	_ =	sfence.sel $0x180000  }
0x107: {  	[bflag:$0x0] =	sbarrier.arrive $0xFFFF  }
0x108: {  	_ =	strace $0x9000004D  }
0x109: {  	s0 =	stileid.u32;
	[bflag:$0x2] =	sbarrier.arrive $0xFFFF  }
0x10a: {  	p0 =	sne.s32 s0, $0x0;
	s0 =	rddreg [dreg:$0x4]  }
0x10b: {  	s0 =	sadd.s32 @!p0 $0x100000, s0  }
0x10c: {  	[sflag:s0] =	ssyncadd.tile.s32 @!p0 $0x1;
	_ =	shalt  }
.Lfunc_end2:
_tile_overlayer_lowered:
.L_overlay_start_2:
0x10d: {  	(tag) =	ssettag $0x2  }
0x10e: {  	s0 =	rddreg [dreg:$0x0];
	s2 =	stileid.u32  }
0x10f: {  	s1 =	rddreg [dreg:$0x1];
	p0 =	sne.s32 s2, $0x0  }
0x110: {  	s3 =	rddreg [dreg:$0x2];
	[bflag:$0x3] =	sbarrier.arrive $0xFFFF;
	s2 =	simm.s32 @!p0 $0x1C05  }
0x111: {  	[timem:s3], [sflag:s2] =	dma.local @!p0 [hbm:s0], s1  }
0x112: {  	s0 =	simm.s32 @!p0 $0x5  }
0x113: {  	_ =	swait.ge @!p0 [sflag:s0], s1  }
0x114: {  	s1 =	ssub.s32 @!p0 $0x0, s1;
	[sflag:s0] =	ssyncset.done @!p0 $0x0  }
0x115: {  	[sflag:s0] =	ssyncadd.s32 @!p0 s1  }
0x116: {  	[bflag:$0x3] =	sbarrier.arrive $0xFFFF  }
0x117: {  	_ =	shalt  }

</sc_bundles>
